<compile_context>
chip_gen: v7x
topology: tpu7x:2x2x1
jax: 0.10.2.dev20260603
libtpu: 0.0.44.dev20260713+nightly
codegen_flags: <defaults>
</compile_context>

<pallas_src>
import functools

import jax
import jax.numpy as jnp
from jax import lax
from jax.experimental import pallas as pl
from jax.experimental.pallas import tpu as pltpu
from jax.experimental.pallas import tpu_sc as plsc

NUM_CLASSES = 8192
FEATURE_LEN = 256
BATCH = 16384

NCORE = 2
NSUB = 16
HALF = FEATURE_LEN // NCORE
CHUNK = 256
GROUPS = CHUNK // 128
SAMPLES_PER_TILE = BATCH // NSUB
ROUNDS = SAMPLES_PER_TILE // CHUNK
ROWS_PER_TILE = NUM_CLASSES // NSUB
CNT_SAMPLES_PER_TILE = BATCH // (NCORE * NSUB)
CNT_ROUNDS = CNT_SAMPLES_PER_TILE // CHUNK


def _sc_sums_and_counts(batch_feature, batch_label, zero_blk, one_blk):
    mesh = plsc.VectorSubcoreMesh(core_axis_name="c", subcore_axis_name="s")

    @functools.partial(
        pl.kernel,
        out_type=(
            jax.ShapeDtypeStruct((NCORE * NUM_CLASSES, HALF), jnp.float32),
            jax.ShapeDtypeStruct((NCORE * NUM_CLASSES, HALF), jnp.float32),
        ),
        mesh=mesh,
        scratch_types=[
            pltpu.VMEM((CHUNK, HALF), jnp.float32),
            pltpu.VMEM((CHUNK,), jnp.int32),
            pltpu.VMEM_SHARED((NUM_CLASSES, HALF), jnp.float32),
        ],
    )
    def seg(feat_hbm, lab_hbm, zblk_hbm, oblk_hbm, sums_hbm, cnt_hbm,
            feat_v, idx_v, acc):
        c = lax.axis_index("c")
        s = lax.axis_index("s")
        row0 = s * ROWS_PER_TILE

        pltpu.sync_copy(zblk_hbm, feat_v)
        for k in range(ROWS_PER_TILE // CHUNK):
            pltpu.sync_copy(feat_v, acc.at[pl.ds(row0 + k * CHUNK, CHUNK)])

        plsc.subcore_barrier()

        for r in range(ROUNDS):
            smp = s * SAMPLES_PER_TILE + r * CHUNK
            pltpu.sync_copy(lab_hbm.at[pl.ds(smp, CHUNK)], idx_v)
            pltpu.sync_copy(
                feat_hbm.at[pl.ds(smp, CHUNK), pl.ds(c * HALF, HALF)],
                feat_v)
            for g in range(GROUPS):
                pltpu.sync_copy(feat_v.at[pl.ds(g * 128, 128)],
                                acc.at[idx_v.at[pl.ds(g * 128, 128)]],
                                add=True)

        plsc.subcore_barrier()

        pltpu.sync_copy(acc.at[pl.ds(row0, ROWS_PER_TILE)],
                        sums_hbm.at[pl.ds(c * NUM_CLASSES + row0,
                                          ROWS_PER_TILE)])

        plsc.subcore_barrier()

        pltpu.sync_copy(zblk_hbm, feat_v)
        for k in range(ROWS_PER_TILE // CHUNK):
            pltpu.sync_copy(feat_v, acc.at[pl.ds(row0 + k * CHUNK, CHUNK)])

        plsc.subcore_barrier()

        pltpu.sync_copy(oblk_hbm, feat_v)
        for r in range(CNT_ROUNDS):
            smp = (c * NSUB + s) * CNT_SAMPLES_PER_TILE + r * CHUNK
            pltpu.sync_copy(lab_hbm.at[pl.ds(smp, CHUNK)], idx_v)
            for g in range(GROUPS):
                pltpu.sync_copy(feat_v.at[pl.ds(g * 128, 128)],
                                acc.at[idx_v.at[pl.ds(g * 128, 128)]],
                                add=True)

        plsc.subcore_barrier()

        pltpu.sync_copy(acc.at[pl.ds(row0, ROWS_PER_TILE)],
                        cnt_hbm.at[pl.ds(c * NUM_CLASSES + row0,
                                         ROWS_PER_TILE)])

    return seg(batch_feature, batch_label, zero_blk, one_blk)


_TC_GRID = 8
_FBLK = BATCH // _TC_GRID
_SBLK = NUM_CLASSES // _TC_GRID


def _tc_body(f_ref, s0_ref, s1_ref, c0_ref, c1_ref, out_ref, acc_ref):
    i = pl.program_id(0)

    @pl.when(i == 0)
    def _():
        acc_ref[0] = 0.0

    f = f_ref[...]
    s0 = s0_ref[...]
    s1 = s1_ref[...]
    q = (jnp.sum(s0 * s0, axis=1, keepdims=True)
         + jnp.sum(s1 * s1, axis=1, keepdims=True))
    n = c0_ref[:, 0:1] + c1_ref[:, 0:1]
    part = jnp.sum(f * f) - jnp.sum(q / jnp.maximum(n, 1.0))
    acc_ref[0] = acc_ref[0] + part

    @pl.when(i == _TC_GRID - 1)
    def _():
        out_ref[...] = jnp.full((1, 1),
                                acc_ref[0] * (1.0 / (BATCH * FEATURE_LEN)),
                                jnp.float32)


def _tc_reduce(batch_feature, sums, cnt):
    return pl.pallas_call(
        _tc_body,
        grid=(_TC_GRID,),
        in_specs=[
            pl.BlockSpec((_FBLK, FEATURE_LEN), lambda i: (i, 0)),
            pl.BlockSpec((_SBLK, HALF), lambda i: (i, 0)),
            pl.BlockSpec((_SBLK, HALF), lambda i: (i + _TC_GRID, 0)),
            pl.BlockSpec((_SBLK, HALF), lambda i: (i, 0)),
            pl.BlockSpec((_SBLK, HALF), lambda i: (i + _TC_GRID, 0)),
        ],
        out_specs=pl.BlockSpec((1, 1), lambda i: (0, 0)),
        out_shape=jax.ShapeDtypeStruct((1, 1), jnp.float32),
        scratch_shapes=[pltpu.SMEM((1,), jnp.float32)],
    )(batch_feature, sums, sums, cnt, cnt)


@jax.jit
def kernel(batch_feature, batch_label):
    zero_blk = jnp.zeros((CHUNK, HALF), jnp.float32)
    one_blk = jnp.ones((CHUNK, HALF), jnp.float32)
    sums, cnt = _sc_sums_and_counts(batch_feature, batch_label,
                                    zero_blk, one_blk)
    loss = _tc_reduce(batch_feature, sums, cnt)
    return loss[0, 0]

# --- scband reference (transcript-rebuilt; emitter-appended) ---
"""Pipeline reference for scband-center-loss-34583076668114 (READ-ONLY COPY).

The authoritative reference and input builder live on the scoring server;
editing this copy changes nothing except your own understanding.
"""

import jax, jax.numpy as jnp
import numpy as np

NUM_CLASSES = 8192
FEATURE_LEN = 256
BATCH = 16384


def setup_inputs(seed: int = 0) -> dict:
    key = jax.random.key(seed)
    k1, k2 = jax.random.split(key)
    batch_feature = jax.random.normal(k1, (BATCH, FEATURE_LEN), dtype=jnp.float32)
    batch_label = jax.random.randint(k2, (BATCH,), 0, NUM_CLASSES, dtype=jnp.int32)
    return {"batch_feature": batch_feature, "batch_label": batch_label}


def reference(batch_feature, batch_label):
    # Faithful single-forward-call semantics of CenterLoss:
    # 1) __update_center_feature: centers start at zeros; on the first call the
    #    initialization branch sets center[label] = mean of batch features with
    #    that label (computed on detached .data). Labels absent from the batch
    #    keep their zero center.
    # 2) __center_loss: gather center for each sample's label (detached) and
    #    compute MSE against batch_feature.
    feat = jax.lax.stop_gradient(batch_feature)  # .data in torch -> detached
    sums = jax.ops.segment_sum(feat, batch_label, num_segments=NUM_CLASSES)
    counts = jax.ops.segment_sum(
        jnp.ones((feat.shape[0],), dtype=feat.dtype), batch_label,
        num_segments=NUM_CLASSES)
    means = sums / jnp.maximum(counts, 1.0)[:, None]
    # labels with zero count keep the zero-initialized center (continue branch)
    center_feature = jnp.where((counts > 0.0)[:, None], means,
                               jnp.zeros_like(means))
    # gather per-sample centers (Variable(stack(...)) -> detached constant)
    batch_centers = jax.lax.stop_gradient(center_feature[batch_label])
    # nn.MSELoss() default reduction='mean'
    loss = jnp.mean((batch_feature - batch_centers) ** 2)
    return loss

if __name__ == "__main__":
    import jax
    _d = setup_inputs()
    print(jax.jit(kernel)(*tuple(_d.values())))

</pallas_src>

<mosaic_0001>
#map = affine_map<(d0, d1) -> (0, 0)>
#map1 = affine_map<(d0, d1) -> (0)>
module attributes {stable_mosaic.version = 14 : i64} {
  func.func @seg(%arg0: i32, %arg1: i32, %arg2: memref<16384x256xf32, #tpu.memory_space<hbm>>, %arg3: memref<16384xi32, #tpu.memory_space<hbm>>, %arg4: memref<256x128xf32, #tpu.memory_space<hbm>>, %arg5: memref<256x128xf32, #tpu.memory_space<hbm>>, %arg6: memref<16384x128xf32, #tpu.memory_space<hbm>>, %arg7: memref<16384x128xf32, #tpu.memory_space<hbm>>, %arg8: memref<256x128xf32, #tpu.memory_space<vmem>>, %arg9: memref<256xi32, #tpu.memory_space<vmem>>, %arg10: memref<8192x128xf32, #tpu.memory_space<vmem_shared>>) attributes {dimension_semantics = [#tpu.dimension_semantics<core_parallel>, #tpu.dimension_semantics<subcore_parallel>], iteration_bounds = array<i64: 2, 16>, scalar_prefetch = 0 : i64, scratch_operands = 3 : i64, tpu.core_type = #tpu.core_type<sc_vector_subcore>, window_params = [{transform_indices = #map}, {transform_indices = #map1}, {transform_indices = #map}, {transform_indices = #map}, {transform_indices = #map}, {transform_indices = #map}]} {
    %mul3A = arith.constant 512 : i32
    %mul3A_0 = arith.muli %arg1, %mul3A : i32
    "tpu.region"() ({
      %run_scoped3A = tpu.sem_alloc : memref<!tpu.dma_semaphore, #tpu.memory_space<semaphore_mem>>
      tpu.enqueue_dma source(%arg4 : memref<256x128xf32, #tpu.memory_space<hbm>>) target(%arg8 : memref<256x128xf32, #tpu.memory_space<vmem>>) target_semaphore(%run_scoped3A : memref<!tpu.dma_semaphore, #tpu.memory_space<semaphore_mem>>)
      tpu.wait_dma2 semaphore(%run_scoped3A : memref<!tpu.dma_semaphore, #tpu.memory_space<semaphore_mem>>) src(%arg4 : memref<256x128xf32, #tpu.memory_space<hbm>>) dst(%arg8 : memref<256x128xf32, #tpu.memory_space<vmem>>)
      tpu.yield
    }) : () -> ()
    %add3A = arith.constant 0 : i32
    %add3A_1 = arith.addi %mul3A_0, %add3A : i32
    "tpu.region"() ({
      %run_scoped3A = tpu.sem_alloc : memref<!tpu.dma_semaphore, #tpu.memory_space<semaphore_mem>>
      %dma_start3A = arith.constant 0 : i32
      %dma_start3A_56 = tpu.memref_slice %arg10[%add3A_1, %dma_start3A] : memref<8192x128xf32, #tpu.memory_space<vmem_shared>> -> memref<256x128xf32, #tpu.memory_space<vmem_shared>>
      %dma_start3A_57 = arith.constant 0 : i32
      %dma_start3A_58 = tpu.memref_slice %arg10[%add3A_1, %dma_start3A_57] : memref<8192x128xf32, #tpu.memory_space<vmem_shared>> -> memref<256x128xf32, #tpu.memory_space<vmem_shared>>
      tpu.enqueue_dma source(%arg8 : memref<256x128xf32, #tpu.memory_space<vmem>>) target(%dma_start3A_58 : memref<256x128xf32, #tpu.memory_space<vmem_shared>>) target_semaphore(%run_scoped3A : memref<!tpu.dma_semaphore, #tpu.memory_space<semaphore_mem>>)
      %dma_wait3A = arith.constant 0 : i32
      %dma_wait3A_59 = tpu.memref_slice %arg10[%add3A_1, %dma_wait3A] : memref<8192x128xf32, #tpu.memory_space<vmem_shared>> -> memref<256x128xf32, #tpu.memory_space<vmem_shared>>
      %dma_wait3A_60 = arith.constant 0 : i32
      %dma_wait3A_61 = tpu.memref_slice %arg10[%add3A_1, %dma_wait3A_60] : memref<8192x128xf32, #tpu.memory_space<vmem_shared>> -> memref<256x128xf32, #tpu.memory_space<vmem_shared>>
      tpu.wait_dma2 semaphore(%run_scoped3A : memref<!tpu.dma_semaphore, #tpu.memory_space<semaphore_mem>>) src(%arg8 : memref<256x128xf32, #tpu.memory_space<vmem>>) dst(%dma_wait3A_61 : memref<256x128xf32, #tpu.memory_space<vmem_shared>>)
      tpu.yield
    }) : () -> ()
    %add3A_2 = arith.constant 256 : i32
    %add3A_3 = arith.addi %mul3A_0, %add3A_2 : i32
    "tpu.region"() ({
      %run_scoped3A = tpu.sem_alloc : memref<!tpu.dma_semaphore, #tpu.memory_space<semaphore_mem>>
      %dma_start3A = arith.constant 0 : i32
      %dma_start3A_56 = tpu.memref_slice %arg10[%add3A_3, %dma_start3A] : memref<8192x128xf32, #tpu.memory_space<vmem_shared>> -> memref<256x128xf32, #tpu.memory_space<vmem_shared>>
      %dma_start3A_57 = arith.constant 0 : i32
      %dma_start3A_58 = tpu.memref_slice %arg10[%add3A_3, %dma_start3A_57] : memref<8192x128xf32, #tpu.memory_space<vmem_shared>> -> memref<256x128xf32, #tpu.memory_space<vmem_shared>>
      tpu.enqueue_dma source(%arg8 : memref<256x128xf32, #tpu.memory_space<vmem>>) target(%dma_start3A_58 : memref<256x128xf32, #tpu.memory_space<vmem_shared>>) target_semaphore(%run_scoped3A : memref<!tpu.dma_semaphore, #tpu.memory_space<semaphore_mem>>)
      %dma_wait3A = arith.constant 0 : i32
      %dma_wait3A_59 = tpu.memref_slice %arg10[%add3A_3, %dma_wait3A] : memref<8192x128xf32, #tpu.memory_space<vmem_shared>> -> memref<256x128xf32, #tpu.memory_space<vmem_shared>>
      %dma_wait3A_60 = arith.constant 0 : i32
      %dma_wait3A_61 = tpu.memref_slice %arg10[%add3A_3, %dma_wait3A_60] : memref<8192x128xf32, #tpu.memory_space<vmem_shared>> -> memref<256x128xf32, #tpu.memory_space<vmem_shared>>
      tpu.wait_dma2 semaphore(%run_scoped3A : memref<!tpu.dma_semaphore, #tpu.memory_space<semaphore_mem>>) src(%arg8 : memref<256x128xf32, #tpu.memory_space<vmem>>) dst(%dma_wait3A_61 : memref<256x128xf32, #tpu.memory_space<vmem_shared>>)
      tpu.yield
    }) : () -> ()
    %barrier3A = arith.constant 0 : index
    tpu.barrier barrier_id(%barrier3A)
    %mul3A_4 = arith.constant 1024 : i32
    %mul3A_5 = arith.muli %arg1, %mul3A_4 : i32
    %add3A_6 = arith.constant 0 : i32
    %add3A_7 = arith.addi %mul3A_5, %add3A_6 : i32
    "tpu.region"() ({
      %run_scoped3A = tpu.sem_alloc : memref<!tpu.dma_semaphore, #tpu.memory_space<semaphore_mem>>
      %dma_start3A = tpu.memref_slice %arg3[%add3A_7] : memref<16384xi32, #tpu.memory_space<hbm>> -> memref<256xi32, #tpu.memory_space<hbm>>
      %dma_start3A_56 = tpu.memref_slice %arg3[%add3A_7] : memref<16384xi32, #tpu.memory_space<hbm>> -> memref<256xi32, #tpu.memory_space<hbm>>
      tpu.enqueue_dma source(%dma_start3A_56 : memref<256xi32, #tpu.memory_space<hbm>>) target(%arg9 : memref<256xi32, #tpu.memory_space<vmem>>) target_semaphore(%run_scoped3A : memref<!tpu.dma_semaphore, #tpu.memory_space<semaphore_mem>>)
      %dma_wait3A = tpu.memref_slice %arg3[%add3A_7] : memref<16384xi32, #tpu.memory_space<hbm>> -> memref<256xi32, #tpu.memory_space<hbm>>
      %dma_wait3A_57 = tpu.memref_slice %arg3[%add3A_7] : memref<16384xi32, #tpu.memory_space<hbm>> -> memref<256xi32, #tpu.memory_space<hbm>>
      tpu.wait_dma2 semaphore(%run_scoped3A : memref<!tpu.dma_semaphore, #tpu.memory_space<semaphore_mem>>) src(%dma_wait3A_57 : memref<256xi32, #tpu.memory_space<hbm>>) dst(%arg9 : memref<256xi32, #tpu.memory_space<vmem>>)
      tpu.yield
    }) : () -> ()
    %mul3A_8 = arith.constant 128 : i32
    %mul3A_9 = arith.muli %arg0, %mul3A_8 : i32
    "tpu.region"() ({
      %run_scoped3A = tpu.sem_alloc : memref<!tpu.dma_semaphore, #tpu.memory_space<semaphore_mem>>
      %dma_start3A = tpu.memref_slice %arg2[%add3A_7, %mul3A_9] : memref<16384x256xf32, #tpu.memory_space<hbm>> -> memref<256x128xf32, #tpu.memory_space<hbm>>
      %dma_start3A_56 = tpu.memref_slice %arg2[%add3A_7, %mul3A_9] : memref<16384x256xf32, #tpu.memory_space<hbm>> -> memref<256x128xf32, #tpu.memory_space<hbm>>
      tpu.enqueue_dma source(%dma_start3A_56 : memref<256x128xf32, #tpu.memory_space<hbm>>) target(%arg8 : memref<256x128xf32, #tpu.memory_space<vmem>>) target_semaphore(%run_scoped3A : memref<!tpu.dma_semaphore, #tpu.memory_space<semaphore_mem>>)
      %dma_wait3A = tpu.memref_slice %arg2[%add3A_7, %mul3A_9] : memref<16384x256xf32, #tpu.memory_space<hbm>> -> memref<256x128xf32, #tpu.memory_space<hbm>>
      %dma_wait3A_57 = tpu.memref_slice %arg2[%add3A_7, %mul3A_9] : memref<16384x256xf32, #tpu.memory_space<hbm>> -> memref<256x128xf32, #tpu.memory_space<hbm>>
      tpu.wait_dma2 semaphore(%run_scoped3A : memref<!tpu.dma_semaphore, #tpu.memory_space<semaphore_mem>>) src(%dma_wait3A_57 : memref<256x128xf32, #tpu.memory_space<hbm>>) dst(%arg8 : memref<256x128xf32, #tpu.memory_space<vmem>>)
      tpu.yield
    }) : () -> ()
    "tpu.region"() ({
      %run_scoped3A = tpu.sem_alloc : memref<!tpu.dma_semaphore, #tpu.memory_space<semaphore_mem>>
      %dma_start3A = arith.constant 0 : i32
      %dma_start3A_56 = arith.constant 0 : i32
      %dma_start3A_57 = tpu.memref_slice %arg8[%dma_start3A, %dma_start3A_56] : memref<256x128xf32, #tpu.memory_space<vmem>> -> memref<128x128xf32, #tpu.memory_space<vmem>>
      %dma_start3A_58 = arith.constant 0 : i32
      %dma_start3A_59 = tpu.memref_slice %arg9[%dma_start3A_58] : memref<256xi32, #tpu.memory_space<vmem>> -> memref<128xi32, #tpu.memory_space<vmem>>
      %dma_start3A_60 = arith.constant 0 : i32
      %dma_start3A_61 = arith.constant 0 : i32
      %dma_start3A_62 = tpu.memref_slice %arg10[%dma_start3A_60, %dma_start3A_61] : memref<8192x128xf32, #tpu.memory_space<vmem_shared>> -> memref<8192x128xf32, #tpu.memory_space<vmem_shared>>
      tpu.enqueue_indirect_dma source(%dma_start3A_57 : memref<128x128xf32, #tpu.memory_space<vmem>>) target(%dma_start3A_62 : memref<8192x128xf32, #tpu.memory_space<vmem_shared>>) offsets(%dma_start3A_59 : memref<128xi32, #tpu.memory_space<vmem>>) semaphore(%run_scoped3A : memref<!tpu.dma_semaphore, #tpu.memory_space<semaphore_mem>>) {add = true}
      %dma_wait3A = arith.constant 0 : i32
      %dma_wait3A_63 = arith.constant 0 : i32
      %dma_wait3A_64 = tpu.memref_slice %arg8[%dma_wait3A, %dma_wait3A_63] : memref<256x128xf32, #tpu.memory_space<vmem>> -> memref<128x128xf32, #tpu.memory_space<vmem>>
      %dma_wait3A_65 = arith.constant 0 : i32
      %dma_wait3A_66 = tpu.memref_slice %arg9[%dma_wait3A_65] : memref<256xi32, #tpu.memory_space<vmem>> -> memref<128xi32, #tpu.memory_space<vmem>>
      %dma_wait3A_67 = arith.constant 0 : i32
      %dma_wait3A_68 = arith.constant 0 : i32
      %dma_wait3A_69 = tpu.memref_slice %arg10[%dma_wait3A_67, %dma_wait3A_68] : memref<8192x128xf32, #tpu.memory_space<vmem_shared>> -> memref<8192x128xf32, #tpu.memory_space<vmem_shared>>
      tpu.wait_indirect_dma semaphore(%run_scoped3A : memref<!tpu.dma_semaphore, #tpu.memory_space<semaphore_mem>>) src(%dma_wait3A_64 : memref<128x128xf32, #tpu.memory_space<vmem>>) dst(%dma_wait3A_69 : memref<8192x128xf32, #tpu.memory_space<vmem_shared>>)
      tpu.yield
    }) : () -> ()
    "tpu.region"() ({
      %run_scoped3A = tpu.sem_alloc : memref<!tpu.dma_semaphore, #tpu.memory_space<semaphore_mem>>
      %dma_start3A = arith.constant 128 : i32
      %dma_start3A_56 = arith.constant 0 : i32
      %dma_start3A_57 = tpu.memref_slice %arg8[%dma_start3A, %dma_start3A_56] : memref<256x128xf32, #tpu.memory_space<vmem>> -> memref<128x128xf32, #tpu.memory_space<vmem>>
      %dma_start3A_58 = arith.constant 128 : i32
      %dma_start3A_59 = tpu.memref_slice %arg9[%dma_start3A_58] : memref<256xi32, #tpu.memory_space<vmem>> -> memref<128xi32, #tpu.memory_space<vmem>>
      %dma_start3A_60 = arith.constant 0 : i32
      %dma_start3A_61 = arith.constant 0 : i32
      %dma_start3A_62 = tpu.memref_slice %arg10[%dma_start3A_60, %dma_start3A_61] : memref<8192x128xf32, #tpu.memory_space<vmem_shared>> -> memref<8192x128xf32, #tpu.memory_space<vmem_shared>>
      tpu.enqueue_indirect_dma source(%dma_start3A_57 : memref<128x128xf32, #tpu.memory_space<vmem>>) target(%dma_start3A_62 : memref<8192x128xf32, #tpu.memory_space<vmem_shared>>) offsets(%dma_start3A_59 : memref<128xi32, #tpu.memory_space<vmem>>) semaphore(%run_scoped3A : memref<!tpu.dma_semaphore, #tpu.memory_space<semaphore_mem>>) {add = true}
      %dma_wait3A = arith.constant 128 : i32
      %dma_wait3A_63 = arith.constant 0 : i32
      %dma_wait3A_64 = tpu.memref_slice %arg8[%dma_wait3A, %dma_wait3A_63] : memref<256x128xf32, #tpu.memory_space<vmem>> -> memref<128x128xf32, #tpu.memory_space<vmem>>
      %dma_wait3A_65 = arith.constant 128 : i32
      %dma_wait3A_66 = tpu.memref_slice %arg9[%dma_wait3A_65] : memref<256xi32, #tpu.memory_space<vmem>> -> memref<128xi32, #tpu.memory_space<vmem>>
      %dma_wait3A_67 = arith.constant 0 : i32
      %dma_wait3A_68 = arith.constant 0 : i32
      %dma_wait3A_69 = tpu.memref_slice %arg10[%dma_wait3A_67, %dma_wait3A_68] : memref<8192x128xf32, #tpu.memory_space<vmem_shared>> -> memref<8192x128xf32, #tpu.memory_space<vmem_shared>>
      tpu.wait_indirect_dma semaphore(%run_scoped3A : memref<!tpu.dma_semaphore, #tpu.memory_space<semaphore_mem>>) src(%dma_wait3A_64 : memref<128x128xf32, #tpu.memory_space<vmem>>) dst(%dma_wait3A_69 : memref<8192x128xf32, #tpu.memory_space<vmem_shared>>)
      tpu.yield
    }) : () -> ()
    %mul3A_10 = arith.constant 1024 : i32
    %mul3A_11 = arith.muli %arg1, %mul3A_10 : i32
    %add3A_12 = arith.constant 256 : i32
    %add3A_13 = arith.addi %mul3A_11, %add3A_12 : i32
    "tpu.region"() ({
      %run_scoped3A = tpu.sem_alloc : memref<!tpu.dma_semaphore, #tpu.memory_space<semaphore_mem>>
      %dma_start3A = tpu.memref_slice %arg3[%add3A_13] : memref<16384xi32, #tpu.memory_space<hbm>> -> memref<256xi32, #tpu.memory_space<hbm>>
      %dma_start3A_56 = tpu.memref_slice %arg3[%add3A_13] : memref<16384xi32, #tpu.memory_space<hbm>> -> memref<256xi32, #tpu.memory_space<hbm>>
      tpu.enqueue_dma source(%dma_start3A_56 : memref<256xi32, #tpu.memory_space<hbm>>) target(%arg9 : memref<256xi32, #tpu.memory_space<vmem>>) target_semaphore(%run_scoped3A : memref<!tpu.dma_semaphore, #tpu.memory_space<semaphore_mem>>)
      %dma_wait3A = tpu.memref_slice %arg3[%add3A_13] : memref<16384xi32, #tpu.memory_space<hbm>> -> memref<256xi32, #tpu.memory_space<hbm>>
      %dma_wait3A_57 = tpu.memref_slice %arg3[%add3A_13] : memref<16384xi32, #tpu.memory_space<hbm>> -> memref<256xi32, #tpu.memory_space<hbm>>
      tpu.wait_dma2 semaphore(%run_scoped3A : memref<!tpu.dma_semaphore, #tpu.memory_space<semaphore_mem>>) src(%dma_wait3A_57 : memref<256xi32, #tpu.memory_space<hbm>>) dst(%arg9 : memref<256xi32, #tpu.memory_space<vmem>>)
      tpu.yield
    }) : () -> ()
    %mul3A_14 = arith.constant 128 : i32
    %mul3A_15 = arith.muli %arg0, %mul3A_14 : i32
    "tpu.region"() ({
      %run_scoped3A = tpu.sem_alloc : memref<!tpu.dma_semaphore, #tpu.memory_space<semaphore_mem>>
      %dma_start3A = tpu.memref_slice %arg2[%add3A_13, %mul3A_15] : memref<16384x256xf32, #tpu.memory_space<hbm>> -> memref<256x128xf32, #tpu.memory_space<hbm>>
      %dma_start3A_56 = tpu.memref_slice %arg2[%add3A_13, %mul3A_15] : memref<16384x256xf32, #tpu.memory_space<hbm>> -> memref<256x128xf32, #tpu.memory_space<hbm>>
      tpu.enqueue_dma source(%dma_start3A_56 : memref<256x128xf32, #tpu.memory_space<hbm>>) target(%arg8 : memref<256x128xf32, #tpu.memory_space<vmem>>) target_semaphore(%run_scoped3A : memref<!tpu.dma_semaphore, #tpu.memory_space<semaphore_mem>>)
      %dma_wait3A = tpu.memref_slice %arg2[%add3A_13, %mul3A_15] : memref<16384x256xf32, #tpu.memory_space<hbm>> -> memref<256x128xf32, #tpu.memory_space<hbm>>
      %dma_wait3A_57 = tpu.memref_slice %arg2[%add3A_13, %mul3A_15] : memref<16384x256xf32, #tpu.memory_space<hbm>> -> memref<256x128xf32, #tpu.memory_space<hbm>>
      tpu.wait_dma2 semaphore(%run_scoped3A : memref<!tpu.dma_semaphore, #tpu.memory_space<semaphore_mem>>) src(%dma_wait3A_57 : memref<256x128xf32, #tpu.memory_space<hbm>>) dst(%arg8 : memref<256x128xf32, #tpu.memory_space<vmem>>)
      tpu.yield
    }) : () -> ()
    "tpu.region"() ({
      %run_scoped3A = tpu.sem_alloc : memref<!tpu.dma_semaphore, #tpu.memory_space<semaphore_mem>>
      %dma_start3A = arith.constant 0 : i32
      %dma_start3A_56 = arith.constant 0 : i32
      %dma_start3A_57 = tpu.memref_slice %arg8[%dma_start3A, %dma_start3A_56] : memref<256x128xf32, #tpu.memory_space<vmem>> -> memref<128x128xf32, #tpu.memory_space<vmem>>
      %dma_start3A_58 = arith.constant 0 : i32
      %dma_start3A_59 = tpu.memref_slice %arg9[%dma_start3A_58] : memref<256xi32, #tpu.memory_space<vmem>> -> memref<128xi32, #tpu.memory_space<vmem>>
      %dma_start3A_60 = arith.constant 0 : i32
      %dma_start3A_61 = arith.constant 0 : i32
      %dma_start3A_62 = tpu.memref_slice %arg10[%dma_start3A_60, %dma_start3A_61] : memref<8192x128xf32, #tpu.memory_space<vmem_shared>> -> memref<8192x128xf32, #tpu.memory_space<vmem_shared>>
      tpu.enqueue_indirect_dma source(%dma_start3A_57 : memref<128x128xf32, #tpu.memory_space<vmem>>) target(%dma_start3A_62 : memref<8192x128xf32, #tpu.memory_space<vmem_shared>>) offsets(%dma_start3A_59 : memref<128xi32, #tpu.memory_space<vmem>>) semaphore(%run_scoped3A : memref<!tpu.dma_semaphore, #tpu.memory_space<semaphore_mem>>) {add = true}
      %dma_wait3A = arith.constant 0 : i32
      %dma_wait3A_63 = arith.constant 0 : i32
      %dma_wait3A_64 = tpu.memref_slice %arg8[%dma_wait3A, %dma_wait3A_63] : memref<256x128xf32, #tpu.memory_space<vmem>> -> memref<128x128xf32, #tpu.memory_space<vmem>>
      %dma_wait3A_65 = arith.constant 0 : i32
      %dma_wait3A_66 = tpu.memref_slice %arg9[%dma_wait3A_65] : memref<256xi32, #tpu.memory_space<vmem>> -> memref<128xi32, #tpu.memory_space<vmem>>
      %dma_wait3A_67 = arith.constant 0 : i32
      %dma_wait3A_68 = arith.constant 0 : i32
      %dma_wait3A_69 = tpu.memref_slice %arg10[%dma_wait3A_67, %dma_wait3A_68] : memref<8192x128xf32, #tpu.memory_space<vmem_shared>> -> memref<8192x128xf32, #tpu.memory_space<vmem_shared>>
      tpu.wait_indirect_dma semaphore(%run_scoped3A : memref<!tpu.dma_semaphore, #tpu.memory_space<semaphore_mem>>) src(%dma_wait3A_64 : memref<128x128xf32, #tpu.memory_space<vmem>>) dst(%dma_wait3A_69 : memref<8192x128xf32, #tpu.memory_space<vmem_shared>>)
      tpu.yield
    }) : () -> ()
    "tpu.region"() ({
      %run_scoped3A = tpu.sem_alloc : memref<!tpu.dma_semaphore, #tpu.memory_space<semaphore_mem>>
      %dma_start3A = arith.constant 128 : i32
      %dma_start3A_56 = arith.constant 0 : i32
      %dma_start3A_57 = tpu.memref_slice %arg8[%dma_start3A, %dma_start3A_56] : memref<256x128xf32, #tpu.memory_space<vmem>> -> memref<128x128xf32, #tpu.memory_space<vmem>>
      %dma_start3A_58 = arith.constant 128 : i32
      %dma_start3A_59 = tpu.memref_slice %arg9[%dma_start3A_58] : memref<256xi32, #tpu.memory_space<vmem>> -> memref<128xi32, #tpu.memory_space<vmem>>
      %dma_start3A_60 = arith.constant 0 : i32
      %dma_start3A_61 = arith.constant 0 : i32
      %dma_start3A_62 = tpu.memref_slice %arg10[%dma_start3A_60, %dma_start3A_61] : memref<8192x128xf32, #tpu.memory_space<vmem_shared>> -> memref<8192x128xf32, #tpu.memory_space<vmem_shared>>
      tpu.enqueue_indirect_dma source(%dma_start3A_57 : memref<128x128xf32, #tpu.memory_space<vmem>>) target(%dma_start3A_62 : memref<8192x128xf32, #tpu.memory_space<vmem_shared>>) offsets(%dma_start3A_59 : memref<128xi32, #tpu.memory_space<vmem>>) semaphore(%run_scoped3A : memref<!tpu.dma_semaphore, #tpu.memory_space<semaphore_mem>>) {add = true}
      %dma_wait3A = arith.constant 128 : i32
      %dma_wait3A_63 = arith.constant 0 : i32
      %dma_wait3A_64 = tpu.memref_slice %arg8[%dma_wait3A, %dma_wait3A_63] : memref<256x128xf32, #tpu.memory_space<vmem>> -> memref<128x128xf32, #tpu.memory_space<vmem>>
      %dma_wait3A_65 = arith.constant 128 : i32
      %dma_wait3A_66 = tpu.memref_slice %arg9[%dma_wait3A_65] : memref<256xi32, #tpu.memory_space<vmem>> -> memref<128xi32, #tpu.memory_space<vmem>>
      %dma_wait3A_67 = arith.constant 0 : i32
      %dma_wait3A_68 = arith.constant 0 : i32
      %dma_wait3A_69 = tpu.memref_slice %arg10[%dma_wait3A_67, %dma_wait3A_68] : memref<8192x128xf32, #tpu.memory_space<vmem_shared>> -> memref<8192x128xf32, #tpu.memory_space<vmem_shared>>
      tpu.wait_indirect_dma semaphore(%run_scoped3A : memref<!tpu.dma_semaphore, #tpu.memory_space<semaphore_mem>>) src(%dma_wait3A_64 : memref<128x128xf32, #tpu.memory_space<vmem>>) dst(%dma_wait3A_69 : memref<8192x128xf32, #tpu.memory_space<vmem_shared>>)
      tpu.yield
    }) : () -> ()
    %mul3A_16 = arith.constant 1024 : i32
    %mul3A_17 = arith.muli %arg1, %mul3A_16 : i32
    %add3A_18 = arith.constant 512 : i32
    %add3A_19 = arith.addi %mul3A_17, %add3A_18 : i32
    "tpu.region"() ({
      %run_scoped3A = tpu.sem_alloc : memref<!tpu.dma_semaphore, #tpu.memory_space<semaphore_mem>>
      %dma_start3A = tpu.memref_slice %arg3[%add3A_19] : memref<16384xi32, #tpu.memory_space<hbm>> -> memref<256xi32, #tpu.memory_space<hbm>>
      %dma_start3A_56 = tpu.memref_slice %arg3[%add3A_19] : memref<16384xi32, #tpu.memory_space<hbm>> -> memref<256xi32, #tpu.memory_space<hbm>>
      tpu.enqueue_dma source(%dma_start3A_56 : memref<256xi32, #tpu.memory_space<hbm>>) target(%arg9 : memref<256xi32, #tpu.memory_space<vmem>>) target_semaphore(%run_scoped3A : memref<!tpu.dma_semaphore, #tpu.memory_space<semaphore_mem>>)
      %dma_wait3A = tpu.memref_slice %arg3[%add3A_19] : memref<16384xi32, #tpu.memory_space<hbm>> -> memref<256xi32, #tpu.memory_space<hbm>>
      %dma_wait3A_57 = tpu.memref_slice %arg3[%add3A_19] : memref<16384xi32, #tpu.memory_space<hbm>> -> memref<256xi32, #tpu.memory_space<hbm>>
      tpu.wait_dma2 semaphore(%run_scoped3A : memref<!tpu.dma_semaphore, #tpu.memory_space<semaphore_mem>>) src(%dma_wait3A_57 : memref<256xi32, #tpu.memory_space<hbm>>) dst(%arg9 : memref<256xi32, #tpu.memory_space<vmem>>)
      tpu.yield
    }) : () -> ()
    %mul3A_20 = arith.constant 128 : i32
    %mul3A_21 = arith.muli %arg0, %mul3A_20 : i32
    "tpu.region"() ({
      %run_scoped3A = tpu.sem_alloc : memref<!tpu.dma_semaphore, #tpu.memory_space<semaphore_mem>>
      %dma_start3A = tpu.memref_slice %arg2[%add3A_19, %mul3A_21] : memref<16384x256xf32, #tpu.memory_space<hbm>> -> memref<256x128xf32, #tpu.memory_space<hbm>>
      %dma_start3A_56 = tpu.memref_slice %arg2[%add3A_19, %mul3A_21] : memref<16384x256xf32, #tpu.memory_space<hbm>> -> memref<256x128xf32, #tpu.memory_space<hbm>>
      tpu.enqueue_dma source(%dma_start3A_56 : memref<256x128xf32, #tpu.memory_space<hbm>>) target(%arg8 : memref<256x128xf32, #tpu.memory_space<vmem>>) target_semaphore(%run_scoped3A : memref<!tpu.dma_semaphore, #tpu.memory_space<semaphore_mem>>)
      %dma_wait3A = tpu.memref_slice %arg2[%add3A_19, %mul3A_21] : memref<16384x256xf32, #tpu.memory_space<hbm>> -> memref<256x128xf32, #tpu.memory_space<hbm>>
      %dma_wait3A_57 = tpu.memref_slice %arg2[%add3A_19, %mul3A_21] : memref<16384x256xf32, #tpu.memory_space<hbm>> -> memref<256x128xf32, #tpu.memory_space<hbm>>
      tpu.wait_dma2 semaphore(%run_scoped3A : memref<!tpu.dma_semaphore, #tpu.memory_space<semaphore_mem>>) src(%dma_wait3A_57 : memref<256x128xf32, #tpu.memory_space<hbm>>) dst(%arg8 : memref<256x128xf32, #tpu.memory_space<vmem>>)
      tpu.yield
    }) : () -> ()
    "tpu.region"() ({
      %run_scoped3A = tpu.sem_alloc : memref<!tpu.dma_semaphore, #tpu.memory_space<semaphore_mem>>
      %dma_start3A = arith.constant 0 : i32
      %dma_start3A_56 = arith.constant 0 : i32
      %dma_start3A_57 = tpu.memref_slice %arg8[%dma_start3A, %dma_start3A_56] : memref<256x128xf32, #tpu.memory_space<vmem>> -> memref<128x128xf32, #tpu.memory_space<vmem>>
      %dma_start3A_58 = arith.constant 0 : i32
      %dma_start3A_59 = tpu.memref_slice %arg9[%dma_start3A_58] : memref<256xi32, #tpu.memory_space<vmem>> -> memref<128xi32, #tpu.memory_space<vmem>>
      %dma_start3A_60 = arith.constant 0 : i32
      %dma_start3A_61 = arith.constant 0 : i32
      %dma_start3A_62 = tpu.memref_slice %arg10[%dma_start3A_60, %dma_start3A_61] : memref<8192x128xf32, #tpu.memory_space<vmem_shared>> -> memref<8192x128xf32, #tpu.memory_space<vmem_shared>>
      tpu.enqueue_indirect_dma source(%dma_start3A_57 : memref<128x128xf32, #tpu.memory_space<vmem>>) target(%dma_start3A_62 : memref<8192x128xf32, #tpu.memory_space<vmem_shared>>) offsets(%dma_start3A_59 : memref<128xi32, #tpu.memory_space<vmem>>) semaphore(%run_scoped3A : memref<!tpu.dma_semaphore, #tpu.memory_space<semaphore_mem>>) {add = true}
      %dma_wait3A = arith.constant 0 : i32
      %dma_wait3A_63 = arith.constant 0 : i32
      %dma_wait3A_64 = tpu.memref_slice %arg8[%dma_wait3A, %dma_wait3A_63] : memref<256x128xf32, #tpu.memory_space<vmem>> -> memref<128x128xf32, #tpu.memory_space<vmem>>
      %dma_wait3A_65 = arith.constant 0 : i32
      %dma_wait3A_66 = tpu.memref_slice %arg9[%dma_wait3A_65] : memref<256xi32, #tpu.memory_space<vmem>> -> memref<128xi32, #tpu.memory_space<vmem>>
      %dma_wait3A_67 = arith.constant 0 : i32
      %dma_wait3A_68 = arith.constant 0 : i32
      %dma_wait3A_69 = tpu.memref_slice %arg10[%dma_wait3A_67, %dma_wait3A_68] : memref<8192x128xf32, #tpu.memory_space<vmem_shared>> -> memref<8192x128xf32, #tpu.memory_space<vmem_shared>>
      tpu.wait_indirect_dma semaphore(%run_scoped3A : memref<!tpu.dma_semaphore, #tpu.memory_space<semaphore_mem>>) src(%dma_wait3A_64 : memref<128x128xf32, #tpu.memory_space<vmem>>) dst(%dma_wait3A_69 : memref<8192x128xf32, #tpu.memory_space<vmem_shared>>)
      tpu.yield
    }) : () -> ()
    "tpu.region"() ({
      %run_scoped3A = tpu.sem_alloc : memref<!tpu.dma_semaphore, #tpu.memory_space<semaphore_mem>>
      %dma_start3A = arith.constant 128 : i32
      %dma_start3A_56 = arith.constant 0 : i32
      %dma_start3A_57 = tpu.memref_slice %arg8[%dma_start3A, %dma_start3A_56] : memref<256x128xf32, #tpu.memory_space<vmem>> -> memref<128x128xf32, #tpu.memory_space<vmem>>
      %dma_start3A_58 = arith.constant 128 : i32
      %dma_start3A_59 = tpu.memref_slice %arg9[%dma_start3A_58] : memref<256xi32, #tpu.memory_space<vmem>> -> memref<128xi32, #tpu.memory_space<vmem>>
      %dma_start3A_60 = arith.constant 0 : i32
      %dma_start3A_61 = arith.constant 0 : i32
      %dma_start3A_62 = tpu.memref_slice %arg10[%dma_start3A_60, %dma_start3A_61] : memref<8192x128xf32, #tpu.memory_space<vmem_shared>> -> memref<8192x128xf32, #tpu.memory_space<vmem_shared>>
      tpu.enqueue_indirect_dma source(%dma_start3A_57 : memref<128x128xf32, #tpu.memory_space<vmem>>) target(%dma_start3A_62 : memref<8192x128xf32, #tpu.memory_space<vmem_shared>>) offsets(%dma_start3A_59 : memref<128xi32, #tpu.memory_space<vmem>>) semaphore(%run_scoped3A : memref<!tpu.dma_semaphore, #tpu.memory_space<semaphore_mem>>) {add = true}
      %dma_wait3A = arith.constant 128 : i32
      %dma_wait3A_63 = arith.constant 0 : i32
      %dma_wait3A_64 = tpu.memref_slice %arg8[%dma_wait3A, %dma_wait3A_63] : memref<256x128xf32, #tpu.memory_space<vmem>> -> memref<128x128xf32, #tpu.memory_space<vmem>>
      %dma_wait3A_65 = arith.constant 128 : i32
      %dma_wait3A_66 = tpu.memref_slice %arg9[%dma_wait3A_65] : memref<256xi32, #tpu.memory_space<vmem>> -> memref<128xi32, #tpu.memory_space<vmem>>
      %dma_wait3A_67 = arith.constant 0 : i32
      %dma_wait3A_68 = arith.constant 0 : i32
      %dma_wait3A_69 = tpu.memref_slice %arg10[%dma_wait3A_67, %dma_wait3A_68] : memref<8192x128xf32, #tpu.memory_space<vmem_shared>> -> memref<8192x128xf32, #tpu.memory_space<vmem_shared>>
      tpu.wait_indirect_dma semaphore(%run_scoped3A : memref<!tpu.dma_semaphore, #tpu.memory_space<semaphore_mem>>) src(%dma_wait3A_64 : memref<128x128xf32, #tpu.memory_space<vmem>>) dst(%dma_wait3A_69 : memref<8192x128xf32, #tpu.memory_space<vmem_shared>>)
      tpu.yield
    }) : () -> ()
    %mul3A_22 = arith.constant 1024 : i32
    %mul3A_23 = arith.muli %arg1, %mul3A_22 : i32
    %add3A_24 = arith.constant 768 : i32
    %add3A_25 = arith.addi %mul3A_23, %add3A_24 : i32
    "tpu.region"() ({
      %run_scoped3A = tpu.sem_alloc : memref<!tpu.dma_semaphore, #tpu.memory_space<semaphore_mem>>
      %dma_start3A = tpu.memref_slice %arg3[%add3A_25] : memref<16384xi32, #tpu.memory_space<hbm>> -> memref<256xi32, #tpu.memory_space<hbm>>
      %dma_start3A_56 = tpu.memref_slice %arg3[%add3A_25] : memref<16384xi32, #tpu.memory_space<hbm>> -> memref<256xi32, #tpu.memory_space<hbm>>
      tpu.enqueue_dma source(%dma_start3A_56 : memref<256xi32, #tpu.memory_space<hbm>>) target(%arg9 : memref<256xi32, #tpu.memory_space<vmem>>) target_semaphore(%run_scoped3A : memref<!tpu.dma_semaphore, #tpu.memory_space<semaphore_mem>>)
      %dma_wait3A = tpu.memref_slice %arg3[%add3A_25] : memref<16384xi32, #tpu.memory_space<hbm>> -> memref<256xi32, #tpu.memory_space<hbm>>
      %dma_wait3A_57 = tpu.memref_slice %arg3[%add3A_25] : memref<16384xi32, #tpu.memory_space<hbm>> -> memref<256xi32, #tpu.memory_space<hbm>>
      tpu.wait_dma2 semaphore(%run_scoped3A : memref<!tpu.dma_semaphore, #tpu.memory_space<semaphore_mem>>) src(%dma_wait3A_57 : memref<256xi32, #tpu.memory_space<hbm>>) dst(%arg9 : memref<256xi32, #tpu.memory_space<vmem>>)
      tpu.yield
    }) : () -> ()
    %mul3A_26 = arith.constant 128 : i32
    %mul3A_27 = arith.muli %arg0, %mul3A_26 : i32
    "tpu.region"() ({
      %run_scoped3A = tpu.sem_alloc : memref<!tpu.dma_semaphore, #tpu.memory_space<semaphore_mem>>
      %dma_start3A = tpu.memref_slice %arg2[%add3A_25, %mul3A_27] : memref<16384x256xf32, #tpu.memory_space<hbm>> -> memref<256x128xf32, #tpu.memory_space<hbm>>
      %dma_start3A_56 = tpu.memref_slice %arg2[%add3A_25, %mul3A_27] : memref<16384x256xf32, #tpu.memory_space<hbm>> -> memref<256x128xf32, #tpu.memory_space<hbm>>
      tpu.enqueue_dma source(%dma_start3A_56 : memref<256x128xf32, #tpu.memory_space<hbm>>) target(%arg8 : memref<256x128xf32, #tpu.memory_space<vmem>>) target_semaphore(%run_scoped3A : memref<!tpu.dma_semaphore, #tpu.memory_space<semaphore_mem>>)
      %dma_wait3A = tpu.memref_slice %arg2[%add3A_25, %mul3A_27] : memref<16384x256xf32, #tpu.memory_space<hbm>> -> memref<256x128xf32, #tpu.memory_space<hbm>>
      %dma_wait3A_57 = tpu.memref_slice %arg2[%add3A_25, %mul3A_27] : memref<16384x256xf32, #tpu.memory_space<hbm>> -> memref<256x128xf32, #tpu.memory_space<hbm>>
      tpu.wait_dma2 semaphore(%run_scoped3A : memref<!tpu.dma_semaphore, #tpu.memory_space<semaphore_mem>>) src(%dma_wait3A_57 : memref<256x128xf32, #tpu.memory_space<hbm>>) dst(%arg8 : memref<256x128xf32, #tpu.memory_space<vmem>>)
      tpu.yield
    }) : () -> ()
    "tpu.region"() ({
      %run_scoped3A = tpu.sem_alloc : memref<!tpu.dma_semaphore, #tpu.memory_space<semaphore_mem>>
      %dma_start3A = arith.constant 0 : i32
      %dma_start3A_56 = arith.constant 0 : i32
      %dma_start3A_57 = tpu.memref_slice %arg8[%dma_start3A, %dma_start3A_56] : memref<256x128xf32, #tpu.memory_space<vmem>> -> memref<128x128xf32, #tpu.memory_space<vmem>>
      %dma_start3A_58 = arith.constant 0 : i32
      %dma_start3A_59 = tpu.memref_slice %arg9[%dma_start3A_58] : memref<256xi32, #tpu.memory_space<vmem>> -> memref<128xi32, #tpu.memory_space<vmem>>
      %dma_start3A_60 = arith.constant 0 : i32
      %dma_start3A_61 = arith.constant 0 : i32
      %dma_start3A_62 = tpu.memref_slice %arg10[%dma_start3A_60, %dma_start3A_61] : memref<8192x128xf32, #tpu.memory_space<vmem_shared>> -> memref<8192x128xf32, #tpu.memory_space<vmem_shared>>
      tpu.enqueue_indirect_dma source(%dma_start3A_57 : memref<128x128xf32, #tpu.memory_space<vmem>>) target(%dma_start3A_62 : memref<8192x128xf32, #tpu.memory_space<vmem_shared>>) offsets(%dma_start3A_59 : memref<128xi32, #tpu.memory_space<vmem>>) semaphore(%run_scoped3A : memref<!tpu.dma_semaphore, #tpu.memory_space<semaphore_mem>>) {add = true}
      %dma_wait3A = arith.constant 0 : i32
      %dma_wait3A_63 = arith.constant 0 : i32
      %dma_wait3A_64 = tpu.memref_slice %arg8[%dma_wait3A, %dma_wait3A_63] : memref<256x128xf32, #tpu.memory_space<vmem>> -> memref<128x128xf32, #tpu.memory_space<vmem>>
      %dma_wait3A_65 = arith.constant 0 : i32
      %dma_wait3A_66 = tpu.memref_slice %arg9[%dma_wait3A_65] : memref<256xi32, #tpu.memory_space<vmem>> -> memref<128xi32, #tpu.memory_space<vmem>>
      %dma_wait3A_67 = arith.constant 0 : i32
      %dma_wait3A_68 = arith.constant 0 : i32
      %dma_wait3A_69 = tpu.memref_slice %arg10[%dma_wait3A_67, %dma_wait3A_68] : memref<8192x128xf32, #tpu.memory_space<vmem_shared>> -> memref<8192x128xf32, #tpu.memory_space<vmem_shared>>
      tpu.wait_indirect_dma semaphore(%run_scoped3A : memref<!tpu.dma_semaphore, #tpu.memory_space<semaphore_mem>>) src(%dma_wait3A_64 : memref<128x128xf32, #tpu.memory_space<vmem>>) dst(%dma_wait3A_69 : memref<8192x128xf32, #tpu.memory_space<vmem_shared>>)
      tpu.yield
    }) : () -> ()
    "tpu.region"() ({
      %run_scoped3A = tpu.sem_alloc : memref<!tpu.dma_semaphore, #tpu.memory_space<semaphore_mem>>
      %dma_start3A = arith.constant 128 : i32
      %dma_start3A_56 = arith.constant 0 : i32
      %dma_start3A_57 = tpu.memref_slice %arg8[%dma_start3A, %dma_start3A_56] : memref<256x128xf32, #tpu.memory_space<vmem>> -> memref<128x128xf32, #tpu.memory_space<vmem>>
      %dma_start3A_58 = arith.constant 128 : i32
      %dma_start3A_59 = tpu.memref_slice %arg9[%dma_start3A_58] : memref<256xi32, #tpu.memory_space<vmem>> -> memref<128xi32, #tpu.memory_space<vmem>>
      %dma_start3A_60 = arith.constant 0 : i32
      %dma_start3A_61 = arith.constant 0 : i32
      %dma_start3A_62 = tpu.memref_slice %arg10[%dma_start3A_60, %dma_start3A_61] : memref<8192x128xf32, #tpu.memory_space<vmem_shared>> -> memref<8192x128xf32, #tpu.memory_space<vmem_shared>>
      tpu.enqueue_indirect_dma source(%dma_start3A_57 : memref<128x128xf32, #tpu.memory_space<vmem>>) target(%dma_start3A_62 : memref<8192x128xf32, #tpu.memory_space<vmem_shared>>) offsets(%dma_start3A_59 : memref<128xi32, #tpu.memory_space<vmem>>) semaphore(%run_scoped3A : memref<!tpu.dma_semaphore, #tpu.memory_space<semaphore_mem>>) {add = true}
      %dma_wait3A = arith.constant 128 : i32
      %dma_wait3A_63 = arith.constant 0 : i32
      %dma_wait3A_64 = tpu.memref_slice %arg8[%dma_wait3A, %dma_wait3A_63] : memref<256x128xf32, #tpu.memory_space<vmem>> -> memref<128x128xf32, #tpu.memory_space<vmem>>
      %dma_wait3A_65 = arith.constant 128 : i32
      %dma_wait3A_66 = tpu.memref_slice %arg9[%dma_wait3A_65] : memref<256xi32, #tpu.memory_space<vmem>> -> memref<128xi32, #tpu.memory_space<vmem>>
      %dma_wait3A_67 = arith.constant 0 : i32
      %dma_wait3A_68 = arith.constant 0 : i32
      %dma_wait3A_69 = tpu.memref_slice %arg10[%dma_wait3A_67, %dma_wait3A_68] : memref<8192x128xf32, #tpu.memory_space<vmem_shared>> -> memref<8192x128xf32, #tpu.memory_space<vmem_shared>>
      tpu.wait_indirect_dma semaphore(%run_scoped3A : memref<!tpu.dma_semaphore, #tpu.memory_space<semaphore_mem>>) src(%dma_wait3A_64 : memref<128x128xf32, #tpu.memory_space<vmem>>) dst(%dma_wait3A_69 : memref<8192x128xf32, #tpu.memory_space<vmem_shared>>)
      tpu.yield
    }) : () -> ()
    %barrier3A_28 = arith.constant 0 : index
    tpu.barrier barrier_id(%barrier3A_28)
    %mul3A_29 = arith.constant 8192 : i32
    %mul3A_30 = arith.muli %arg0, %mul3A_29 : i32
    %add3A_31 = arith.addi %mul3A_30, %mul3A_0 : i32
    "tpu.region"() ({
      %run_scoped3A = tpu.sem_alloc : memref<!tpu.dma_semaphore, #tpu.memory_space<semaphore_mem>>
      %dma_start3A = arith.constant 0 : i32
      %dma_start3A_56 = tpu.memref_slice %arg6[%add3A_31, %dma_start3A] : memref<16384x128xf32, #tpu.memory_space<hbm>> -> memref<512x128xf32, #tpu.memory_space<hbm>>
      %dma_start3A_57 = arith.constant 0 : i32
      %dma_start3A_58 = tpu.memref_slice %arg10[%mul3A_0, %dma_start3A_57] : memref<8192x128xf32, #tpu.memory_space<vmem_shared>> -> memref<512x128xf32, #tpu.memory_space<vmem_shared>>
      tpu.enqueue_dma source(%dma_start3A_58 : memref<512x128xf32, #tpu.memory_space<vmem_shared>>) target(%dma_start3A_56 : memref<512x128xf32, #tpu.memory_space<hbm>>) target_semaphore(%run_scoped3A : memref<!tpu.dma_semaphore, #tpu.memory_space<semaphore_mem>>)
      %dma_wait3A = arith.constant 0 : i32
      %dma_wait3A_59 = tpu.memref_slice %arg6[%add3A_31, %dma_wait3A] : memref<16384x128xf32, #tpu.memory_space<hbm>> -> memref<512x128xf32, #tpu.memory_space<hbm>>
      %dma_wait3A_60 = arith.constant 0 : i32
      %dma_wait3A_61 = tpu.memref_slice %arg10[%mul3A_0, %dma_wait3A_60] : memref<8192x128xf32, #tpu.memory_space<vmem_shared>> -> memref<512x128xf32, #tpu.memory_space<vmem_shared>>
      tpu.wait_dma2 semaphore(%run_scoped3A : memref<!tpu.dma_semaphore, #tpu.memory_space<semaphore_mem>>) src(%dma_wait3A_61 : memref<512x128xf32, #tpu.memory_space<vmem_shared>>) dst(%dma_wait3A_59 : memref<512x128xf32, #tpu.memory_space<hbm>>)
      tpu.yield
    }) : () -> ()
    %barrier3A_32 = arith.constant 0 : index
    tpu.barrier barrier_id(%barrier3A_32)
    "tpu.region"() ({
      %run_scoped3A = tpu.sem_alloc : memref<!tpu.dma_semaphore, #tpu.memory_space<semaphore_mem>>
      tpu.enqueue_dma source(%arg4 : memref<256x128xf32, #tpu.memory_space<hbm>>) target(%arg8 : memref<256x128xf32, #tpu.memory_space<vmem>>) target_semaphore(%run_scoped3A : memref<!tpu.dma_semaphore, #tpu.memory_space<semaphore_mem>>)
      tpu.wait_dma2 semaphore(%run_scoped3A : memref<!tpu.dma_semaphore, #tpu.memory_space<semaphore_mem>>) src(%arg4 : memref<256x128xf32, #tpu.memory_space<hbm>>) dst(%arg8 : memref<256x128xf32, #tpu.memory_space<vmem>>)
      tpu.yield
    }) : () -> ()
    %add3A_33 = arith.constant 0 : i32
    %add3A_34 = arith.addi %mul3A_0, %add3A_33 : i32
    "tpu.region"() ({
      %run_scoped3A = tpu.sem_alloc : memref<!tpu.dma_semaphore, #tpu.memory_space<semaphore_mem>>
      %dma_start3A = arith.constant 0 : i32
      %dma_start3A_56 = tpu.memref_slice %arg10[%add3A_34, %dma_start3A] : memref<8192x128xf32, #tpu.memory_space<vmem_shared>> -> memref<256x128xf32, #tpu.memory_space<vmem_shared>>
      %dma_start3A_57 = arith.constant 0 : i32
      %dma_start3A_58 = tpu.memref_slice %arg10[%add3A_34, %dma_start3A_57] : memref<8192x128xf32, #tpu.memory_space<vmem_shared>> -> memref<256x128xf32, #tpu.memory_space<vmem_shared>>
      tpu.enqueue_dma source(%arg8 : memref<256x128xf32, #tpu.memory_space<vmem>>) target(%dma_start3A_58 : memref<256x128xf32, #tpu.memory_space<vmem_shared>>) target_semaphore(%run_scoped3A : memref<!tpu.dma_semaphore, #tpu.memory_space<semaphore_mem>>)
      %dma_wait3A = arith.constant 0 : i32
      %dma_wait3A_59 = tpu.memref_slice %arg10[%add3A_34, %dma_wait3A] : memref<8192x128xf32, #tpu.memory_space<vmem_shared>> -> memref<256x128xf32, #tpu.memory_space<vmem_shared>>
      %dma_wait3A_60 = arith.constant 0 : i32
      %dma_wait3A_61 = tpu.memref_slice %arg10[%add3A_34, %dma_wait3A_60] : memref<8192x128xf32, #tpu.memory_space<vmem_shared>> -> memref<256x128xf32, #tpu.memory_space<vmem_shared>>
      tpu.wait_dma2 semaphore(%run_scoped3A : memref<!tpu.dma_semaphore, #tpu.memory_space<semaphore_mem>>) src(%arg8 : memref<256x128xf32, #tpu.memory_space<vmem>>) dst(%dma_wait3A_61 : memref<256x128xf32, #tpu.memory_space<vmem_shared>>)
      tpu.yield
    }) : () -> ()
    %add3A_35 = arith.constant 256 : i32
    %add3A_36 = arith.addi %mul3A_0, %add3A_35 : i32
    "tpu.region"() ({
      %run_scoped3A = tpu.sem_alloc : memref<!tpu.dma_semaphore, #tpu.memory_space<semaphore_mem>>
      %dma_start3A = arith.constant 0 : i32
      %dma_start3A_56 = tpu.memref_slice %arg10[%add3A_36, %dma_start3A] : memref<8192x128xf32, #tpu.memory_space<vmem_shared>> -> memref<256x128xf32, #tpu.memory_space<vmem_shared>>
      %dma_start3A_57 = arith.constant 0 : i32
      %dma_start3A_58 = tpu.memref_slice %arg10[%add3A_36, %dma_start3A_57] : memref<8192x128xf32, #tpu.memory_space<vmem_shared>> -> memref<256x128xf32, #tpu.memory_space<vmem_shared>>
      tpu.enqueue_dma source(%arg8 : memref<256x128xf32, #tpu.memory_space<vmem>>) target(%dma_start3A_58 : memref<256x128xf32, #tpu.memory_space<vmem_shared>>) target_semaphore(%run_scoped3A : memref<!tpu.dma_semaphore, #tpu.memory_space<semaphore_mem>>)
      %dma_wait3A = arith.constant 0 : i32
      %dma_wait3A_59 = tpu.memref_slice %arg10[%add3A_36, %dma_wait3A] : memref<8192x128xf32, #tpu.memory_space<vmem_shared>> -> memref<256x128xf32, #tpu.memory_space<vmem_shared>>
      %dma_wait3A_60 = arith.constant 0 : i32
      %dma_wait3A_61 = tpu.memref_slice %arg10[%add3A_36, %dma_wait3A_60] : memref<8192x128xf32, #tpu.memory_space<vmem_shared>> -> memref<256x128xf32, #tpu.memory_space<vmem_shared>>
      tpu.wait_dma2 semaphore(%run_scoped3A : memref<!tpu.dma_semaphore, #tpu.memory_space<semaphore_mem>>) src(%arg8 : memref<256x128xf32, #tpu.memory_space<vmem>>) dst(%dma_wait3A_61 : memref<256x128xf32, #tpu.memory_space<vmem_shared>>)
      tpu.yield
    }) : () -> ()
    %barrier3A_37 = arith.constant 0 : index
    tpu.barrier barrier_id(%barrier3A_37)
    "tpu.region"() ({
      %run_scoped3A = tpu.sem_alloc : memref<!tpu.dma_semaphore, #tpu.memory_space<semaphore_mem>>
      tpu.enqueue_dma source(%arg5 : memref<256x128xf32, #tpu.memory_space<hbm>>) target(%arg8 : memref<256x128xf32, #tpu.memory_space<vmem>>) target_semaphore(%run_scoped3A : memref<!tpu.dma_semaphore, #tpu.memory_space<semaphore_mem>>)
      tpu.wait_dma2 semaphore(%run_scoped3A : memref<!tpu.dma_semaphore, #tpu.memory_space<semaphore_mem>>) src(%arg5 : memref<256x128xf32, #tpu.memory_space<hbm>>) dst(%arg8 : memref<256x128xf32, #tpu.memory_space<vmem>>)
      tpu.yield
    }) : () -> ()
    %mul3A_38 = arith.constant 16 : i32
    %mul3A_39 = arith.muli %arg0, %mul3A_38 : i32
    %add3A_40 = arith.addi %mul3A_39, %arg1 : i32
    %mul3A_41 = arith.constant 512 : i32
    %mul3A_42 = arith.muli %add3A_40, %mul3A_41 : i32
    %add3A_43 = arith.constant 0 : i32
    %add3A_44 = arith.addi %mul3A_42, %add3A_43 : i32
    "tpu.region"() ({
      %run_scoped3A = tpu.sem_alloc : memref<!tpu.dma_semaphore, #tpu.memory_space<semaphore_mem>>
      %dma_start3A = tpu.memref_slice %arg3[%add3A_44] : memref<16384xi32, #tpu.memory_space<hbm>> -> memref<256xi32, #tpu.memory_space<hbm>>
      %dma_start3A_56 = tpu.memref_slice %arg3[%add3A_44] : memref<16384xi32, #tpu.memory_space<hbm>> -> memref<256xi32, #tpu.memory_space<hbm>>
      tpu.enqueue_dma source(%dma_start3A_56 : memref<256xi32, #tpu.memory_space<hbm>>) target(%arg9 : memref<256xi32, #tpu.memory_space<vmem>>) target_semaphore(%run_scoped3A : memref<!tpu.dma_semaphore, #tpu.memory_space<semaphore_mem>>)
      %dma_wait3A = tpu.memref_slice %arg3[%add3A_44] : memref<16384xi32, #tpu.memory_space<hbm>> -> memref<256xi32, #tpu.memory_space<hbm>>
      %dma_wait3A_57 = tpu.memref_slice %arg3[%add3A_44] : memref<16384xi32, #tpu.memory_space<hbm>> -> memref<256xi32, #tpu.memory_space<hbm>>
      tpu.wait_dma2 semaphore(%run_scoped3A : memref<!tpu.dma_semaphore, #tpu.memory_space<semaphore_mem>>) src(%dma_wait3A_57 : memref<256xi32, #tpu.memory_space<hbm>>) dst(%arg9 : memref<256xi32, #tpu.memory_space<vmem>>)
      tpu.yield
    }) : () -> ()
    "tpu.region"() ({
      %run_scoped3A = tpu.sem_alloc : memref<!tpu.dma_semaphore, #tpu.memory_space<semaphore_mem>>
      %dma_start3A = arith.constant 0 : i32
      %dma_start3A_56 = arith.constant 0 : i32
      %dma_start3A_57 = tpu.memref_slice %arg8[%dma_start3A, %dma_start3A_56] : memref<256x128xf32, #tpu.memory_space<vmem>> -> memref<128x128xf32, #tpu.memory_space<vmem>>
      %dma_start3A_58 = arith.constant 0 : i32
      %dma_start3A_59 = tpu.memref_slice %arg9[%dma_start3A_58] : memref<256xi32, #tpu.memory_space<vmem>> -> memref<128xi32, #tpu.memory_space<vmem>>
      %dma_start3A_60 = arith.constant 0 : i32
      %dma_start3A_61 = arith.constant 0 : i32
      %dma_start3A_62 = tpu.memref_slice %arg10[%dma_start3A_60, %dma_start3A_61] : memref<8192x128xf32, #tpu.memory_space<vmem_shared>> -> memref<8192x128xf32, #tpu.memory_space<vmem_shared>>
      tpu.enqueue_indirect_dma source(%dma_start3A_57 : memref<128x128xf32, #tpu.memory_space<vmem>>) target(%dma_start3A_62 : memref<8192x128xf32, #tpu.memory_space<vmem_shared>>) offsets(%dma_start3A_59 : memref<128xi32, #tpu.memory_space<vmem>>) semaphore(%run_scoped3A : memref<!tpu.dma_semaphore, #tpu.memory_space<semaphore_mem>>) {add = true}
      %dma_wait3A = arith.constant 0 : i32
      %dma_wait3A_63 = arith.constant 0 : i32
      %dma_wait3A_64 = tpu.memref_slice %arg8[%dma_wait3A, %dma_wait3A_63] : memref<256x128xf32, #tpu.memory_space<vmem>> -> memref<128x128xf32, #tpu.memory_space<vmem>>
      %dma_wait3A_65 = arith.constant 0 : i32
      %dma_wait3A_66 = tpu.memref_slice %arg9[%dma_wait3A_65] : memref<256xi32, #tpu.memory_space<vmem>> -> memref<128xi32, #tpu.memory_space<vmem>>
      %dma_wait3A_67 = arith.constant 0 : i32
      %dma_wait3A_68 = arith.constant 0 : i32
      %dma_wait3A_69 = tpu.memref_slice %arg10[%dma_wait3A_67, %dma_wait3A_68] : memref<8192x128xf32, #tpu.memory_space<vmem_shared>> -> memref<8192x128xf32, #tpu.memory_space<vmem_shared>>
      tpu.wait_indirect_dma semaphore(%run_scoped3A : memref<!tpu.dma_semaphore, #tpu.memory_space<semaphore_mem>>) src(%dma_wait3A_64 : memref<128x128xf32, #tpu.memory_space<vmem>>) dst(%dma_wait3A_69 : memref<8192x128xf32, #tpu.memory_space<vmem_shared>>)
      tpu.yield
    }) : () -> ()
    "tpu.region"() ({
      %run_scoped3A = tpu.sem_alloc : memref<!tpu.dma_semaphore, #tpu.memory_space<semaphore_mem>>
      %dma_start3A = arith.constant 128 : i32
      %dma_start3A_56 = arith.constant 0 : i32
      %dma_start3A_57 = tpu.memref_slice %arg8[%dma_start3A, %dma_start3A_56] : memref<256x128xf32, #tpu.memory_space<vmem>> -> memref<128x128xf32, #tpu.memory_space<vmem>>
      %dma_start3A_58 = arith.constant 128 : i32
      %dma_start3A_59 = tpu.memref_slice %arg9[%dma_start3A_58] : memref<256xi32, #tpu.memory_space<vmem>> -> memref<128xi32, #tpu.memory_space<vmem>>
      %dma_start3A_60 = arith.constant 0 : i32
      %dma_start3A_61 = arith.constant 0 : i32
      %dma_start3A_62 = tpu.memref_slice %arg10[%dma_start3A_60, %dma_start3A_61] : memref<8192x128xf32, #tpu.memory_space<vmem_shared>> -> memref<8192x128xf32, #tpu.memory_space<vmem_shared>>
      tpu.enqueue_indirect_dma source(%dma_start3A_57 : memref<128x128xf32, #tpu.memory_space<vmem>>) target(%dma_start3A_62 : memref<8192x128xf32, #tpu.memory_space<vmem_shared>>) offsets(%dma_start3A_59 : memref<128xi32, #tpu.memory_space<vmem>>) semaphore(%run_scoped3A : memref<!tpu.dma_semaphore, #tpu.memory_space<semaphore_mem>>) {add = true}
      %dma_wait3A = arith.constant 128 : i32
      %dma_wait3A_63 = arith.constant 0 : i32
      %dma_wait3A_64 = tpu.memref_slice %arg8[%dma_wait3A, %dma_wait3A_63] : memref<256x128xf32, #tpu.memory_space<vmem>> -> memref<128x128xf32, #tpu.memory_space<vmem>>
      %dma_wait3A_65 = arith.constant 128 : i32
      %dma_wait3A_66 = tpu.memref_slice %arg9[%dma_wait3A_65] : memref<256xi32, #tpu.memory_space<vmem>> -> memref<128xi32, #tpu.memory_space<vmem>>
      %dma_wait3A_67 = arith.constant 0 : i32
      %dma_wait3A_68 = arith.constant 0 : i32
      %dma_wait3A_69 = tpu.memref_slice %arg10[%dma_wait3A_67, %dma_wait3A_68] : memref<8192x128xf32, #tpu.memory_space<vmem_shared>> -> memref<8192x128xf32, #tpu.memory_space<vmem_shared>>
      tpu.wait_indirect_dma semaphore(%run_scoped3A : memref<!tpu.dma_semaphore, #tpu.memory_space<semaphore_mem>>) src(%dma_wait3A_64 : memref<128x128xf32, #tpu.memory_space<vmem>>) dst(%dma_wait3A_69 : memref<8192x128xf32, #tpu.memory_space<vmem_shared>>)
      tpu.yield
    }) : () -> ()
    %mul3A_45 = arith.constant 16 : i32
    %mul3A_46 = arith.muli %arg0, %mul3A_45 : i32
    %add3A_47 = arith.addi %mul3A_46, %arg1 : i32
    %mul3A_48 = arith.constant 512 : i32
    %mul3A_49 = arith.muli %add3A_47, %mul3A_48 : i32
    %add3A_50 = arith.constant 256 : i32
    %add3A_51 = arith.addi %mul3A_49, %add3A_50 : i32
    "tpu.region"() ({
      %run_scoped3A = tpu.sem_alloc : memref<!tpu.dma_semaphore, #tpu.memory_space<semaphore_mem>>
      %dma_start3A = tpu.memref_slice %arg3[%add3A_51] : memref<16384xi32, #tpu.memory_space<hbm>> -> memref<256xi32, #tpu.memory_space<hbm>>
      %dma_start3A_56 = tpu.memref_slice %arg3[%add3A_51] : memref<16384xi32, #tpu.memory_space<hbm>> -> memref<256xi32, #tpu.memory_space<hbm>>
      tpu.enqueue_dma source(%dma_start3A_56 : memref<256xi32, #tpu.memory_space<hbm>>) target(%arg9 : memref<256xi32, #tpu.memory_space<vmem>>) target_semaphore(%run_scoped3A : memref<!tpu.dma_semaphore, #tpu.memory_space<semaphore_mem>>)
      %dma_wait3A = tpu.memref_slice %arg3[%add3A_51] : memref<16384xi32, #tpu.memory_space<hbm>> -> memref<256xi32, #tpu.memory_space<hbm>>
      %dma_wait3A_57 = tpu.memref_slice %arg3[%add3A_51] : memref<16384xi32, #tpu.memory_space<hbm>> -> memref<256xi32, #tpu.memory_space<hbm>>
      tpu.wait_dma2 semaphore(%run_scoped3A : memref<!tpu.dma_semaphore, #tpu.memory_space<semaphore_mem>>) src(%dma_wait3A_57 : memref<256xi32, #tpu.memory_space<hbm>>) dst(%arg9 : memref<256xi32, #tpu.memory_space<vmem>>)
      tpu.yield
    }) : () -> ()
    "tpu.region"() ({
      %run_scoped3A = tpu.sem_alloc : memref<!tpu.dma_semaphore, #tpu.memory_space<semaphore_mem>>
      %dma_start3A = arith.constant 0 : i32
      %dma_start3A_56 = arith.constant 0 : i32
      %dma_start3A_57 = tpu.memref_slice %arg8[%dma_start3A, %dma_start3A_56] : memref<256x128xf32, #tpu.memory_space<vmem>> -> memref<128x128xf32, #tpu.memory_space<vmem>>
      %dma_start3A_58 = arith.constant 0 : i32
      %dma_start3A_59 = tpu.memref_slice %arg9[%dma_start3A_58] : memref<256xi32, #tpu.memory_space<vmem>> -> memref<128xi32, #tpu.memory_space<vmem>>
      %dma_start3A_60 = arith.constant 0 : i32
      %dma_start3A_61 = arith.constant 0 : i32
      %dma_start3A_62 = tpu.memref_slice %arg10[%dma_start3A_60, %dma_start3A_61] : memref<8192x128xf32, #tpu.memory_space<vmem_shared>> -> memref<8192x128xf32, #tpu.memory_space<vmem_shared>>
      tpu.enqueue_indirect_dma source(%dma_start3A_57 : memref<128x128xf32, #tpu.memory_space<vmem>>) target(%dma_start3A_62 : memref<8192x128xf32, #tpu.memory_space<vmem_shared>>) offsets(%dma_start3A_59 : memref<128xi32, #tpu.memory_space<vmem>>) semaphore(%run_scoped3A : memref<!tpu.dma_semaphore, #tpu.memory_space<semaphore_mem>>) {add = true}
      %dma_wait3A = arith.constant 0 : i32
      %dma_wait3A_63 = arith.constant 0 : i32
      %dma_wait3A_64 = tpu.memref_slice %arg8[%dma_wait3A, %dma_wait3A_63] : memref<256x128xf32, #tpu.memory_space<vmem>> -> memref<128x128xf32, #tpu.memory_space<vmem>>
      %dma_wait3A_65 = arith.constant 0 : i32
      %dma_wait3A_66 = tpu.memref_slice %arg9[%dma_wait3A_65] : memref<256xi32, #tpu.memory_space<vmem>> -> memref<128xi32, #tpu.memory_space<vmem>>
      %dma_wait3A_67 = arith.constant 0 : i32
      %dma_wait3A_68 = arith.constant 0 : i32
      %dma_wait3A_69 = tpu.memref_slice %arg10[%dma_wait3A_67, %dma_wait3A_68] : memref<8192x128xf32, #tpu.memory_space<vmem_shared>> -> memref<8192x128xf32, #tpu.memory_space<vmem_shared>>
      tpu.wait_indirect_dma semaphore(%run_scoped3A : memref<!tpu.dma_semaphore, #tpu.memory_space<semaphore_mem>>) src(%dma_wait3A_64 : memref<128x128xf32, #tpu.memory_space<vmem>>) dst(%dma_wait3A_69 : memref<8192x128xf32, #tpu.memory_space<vmem_shared>>)
      tpu.yield
    }) : () -> ()
    "tpu.region"() ({
      %run_scoped3A = tpu.sem_alloc : memref<!tpu.dma_semaphore, #tpu.memory_space<semaphore_mem>>
      %dma_start3A = arith.constant 128 : i32
      %dma_start3A_56 = arith.constant 0 : i32
      %dma_start3A_57 = tpu.memref_slice %arg8[%dma_start3A, %dma_start3A_56] : memref<256x128xf32, #tpu.memory_space<vmem>> -> memref<128x128xf32, #tpu.memory_space<vmem>>
      %dma_start3A_58 = arith.constant 128 : i32
      %dma_start3A_59 = tpu.memref_slice %arg9[%dma_start3A_58] : memref<256xi32, #tpu.memory_space<vmem>> -> memref<128xi32, #tpu.memory_space<vmem>>
      %dma_start3A_60 = arith.constant 0 : i32
      %dma_start3A_61 = arith.constant 0 : i32
      %dma_start3A_62 = tpu.memref_slice %arg10[%dma_start3A_60, %dma_start3A_61] : memref<8192x128xf32, #tpu.memory_space<vmem_shared>> -> memref<8192x128xf32, #tpu.memory_space<vmem_shared>>
      tpu.enqueue_indirect_dma source(%dma_start3A_57 : memref<128x128xf32, #tpu.memory_space<vmem>>) target(%dma_start3A_62 : memref<8192x128xf32, #tpu.memory_space<vmem_shared>>) offsets(%dma_start3A_59 : memref<128xi32, #tpu.memory_space<vmem>>) semaphore(%run_scoped3A : memref<!tpu.dma_semaphore, #tpu.memory_space<semaphore_mem>>) {add = true}
      %dma_wait3A = arith.constant 128 : i32
      %dma_wait3A_63 = arith.constant 0 : i32
      %dma_wait3A_64 = tpu.memref_slice %arg8[%dma_wait3A, %dma_wait3A_63] : memref<256x128xf32, #tpu.memory_space<vmem>> -> memref<128x128xf32, #tpu.memory_space<vmem>>
      %dma_wait3A_65 = arith.constant 128 : i32
      %dma_wait3A_66 = tpu.memref_slice %arg9[%dma_wait3A_65] : memref<256xi32, #tpu.memory_space<vmem>> -> memref<128xi32, #tpu.memory_space<vmem>>
      %dma_wait3A_67 = arith.constant 0 : i32
      %dma_wait3A_68 = arith.constant 0 : i32
      %dma_wait3A_69 = tpu.memref_slice %arg10[%dma_wait3A_67, %dma_wait3A_68] : memref<8192x128xf32, #tpu.memory_space<vmem_shared>> -> memref<8192x128xf32, #tpu.memory_space<vmem_shared>>
      tpu.wait_indirect_dma semaphore(%run_scoped3A : memref<!tpu.dma_semaphore, #tpu.memory_space<semaphore_mem>>) src(%dma_wait3A_64 : memref<128x128xf32, #tpu.memory_space<vmem>>) dst(%dma_wait3A_69 : memref<8192x128xf32, #tpu.memory_space<vmem_shared>>)
      tpu.yield
    }) : () -> ()
    %barrier3A_52 = arith.constant 0 : index
    tpu.barrier barrier_id(%barrier3A_52)
    %mul3A_53 = arith.constant 8192 : i32
    %mul3A_54 = arith.muli %arg0, %mul3A_53 : i32
    %add3A_55 = arith.addi %mul3A_54, %mul3A_0 : i32
    "tpu.region"() ({
      %run_scoped3A = tpu.sem_alloc : memref<!tpu.dma_semaphore, #tpu.memory_space<semaphore_mem>>
      %dma_start3A = arith.constant 0 : i32
      %dma_start3A_56 = tpu.memref_slice %arg7[%add3A_55, %dma_start3A] : memref<16384x128xf32, #tpu.memory_space<hbm>> -> memref<512x128xf32, #tpu.memory_space<hbm>>
      %dma_start3A_57 = arith.constant 0 : i32
      %dma_start3A_58 = tpu.memref_slice %arg10[%mul3A_0, %dma_start3A_57] : memref<8192x128xf32, #tpu.memory_space<vmem_shared>> -> memref<512x128xf32, #tpu.memory_space<vmem_shared>>
      tpu.enqueue_dma source(%dma_start3A_58 : memref<512x128xf32, #tpu.memory_space<vmem_shared>>) target(%dma_start3A_56 : memref<512x128xf32, #tpu.memory_space<hbm>>) target_semaphore(%run_scoped3A : memref<!tpu.dma_semaphore, #tpu.memory_space<semaphore_mem>>)
      %dma_wait3A = arith.constant 0 : i32
      %dma_wait3A_59 = tpu.memref_slice %arg7[%add3A_55, %dma_wait3A] : memref<16384x128xf32, #tpu.memory_space<hbm>> -> memref<512x128xf32, #tpu.memory_space<hbm>>
      %dma_wait3A_60 = arith.constant 0 : i32
      %dma_wait3A_61 = tpu.memref_slice %arg10[%mul3A_0, %dma_wait3A_60] : memref<8192x128xf32, #tpu.memory_space<vmem_shared>> -> memref<512x128xf32, #tpu.memory_space<vmem_shared>>
      tpu.wait_dma2 semaphore(%run_scoped3A : memref<!tpu.dma_semaphore, #tpu.memory_space<semaphore_mem>>) src(%dma_wait3A_61 : memref<512x128xf32, #tpu.memory_space<vmem_shared>>) dst(%dma_wait3A_59 : memref<512x128xf32, #tpu.memory_space<hbm>>)
      tpu.yield
    }) : () -> ()
    return
  }
}

module attributes {stable_mosaic.version = 14 : i64} {
  func.func @_tc_body(%arg0: i32, %arg1: memref<2048x256xf32, #tpu.memory_space<vmem>>, %arg2: memref<1024x128xf32, #tpu.memory_space<vmem>>, %arg3: memref<1024x128xf32, #tpu.memory_space<vmem>>, %arg4: memref<1024x128xf32, #tpu.memory_space<vmem>>, %arg5: memref<1024x128xf32, #tpu.memory_space<vmem>>, %arg6: memref<1x1xf32, #tpu.memory_space<vmem>>, %arg7: memref<1xf32, #tpu.memory_space<smem>>) attributes {dimension_semantics = [#tpu.dimension_semantics<arbitrary>], iteration_bounds = array<i64: 8>, scalar_prefetch = 0 : i64, scratch_operands = 1 : i64, tpu.core_type = #tpu.core_type<tc>, window_params = [{transform_indices = @transform_0, window_bounds = array<i64: 2048, 256>}, {transform_indices = @transform_1, window_bounds = array<i64: 1024, 128>}, {transform_indices = @transform_2, window_bounds = array<i64: 1024, 128>}, {transform_indices = @transform_3, window_bounds = array<i64: 1024, 128>}, {transform_indices = @transform_4, window_bounds = array<i64: 1024, 128>}, {pipeline_mode = #tpu.pipeline_mode<synchronous>, transform_indices = @transform_5, window_bounds = array<i64: 1, 1>}]} {
    %eq3A = arith.constant 0 : i32
    %eq3A_0 = arith.cmpi eq, %arg0, %eq3A : i32
    %convert_element_type3A = arith.extui %eq3A_0 : i1 to i32
    %cond3A = arith.constant 0 : i32
    %cond3A_1 = arith.cmpi ne, %convert_element_type3A, %cond3A : i32
    scf.if %cond3A_1 {
      %swap3A_44 = arith.constant 0.000000e+00 : f32
      %swap3A_45 = arith.constant 0 : index
      %swap3A_46 = memref.load %arg7[%swap3A_45] : memref<1xf32, #tpu.memory_space<smem>>
      memref.store %swap3A_44, %arg7[%swap3A_45] : memref<1xf32, #tpu.memory_space<smem>>
    } else {
    }
    %get3A = arith.constant 0 : index
    %get3A_2 = arith.constant 0 : index
    %get3A_3 = vector.load %arg1[%get3A, %get3A_2] : memref<2048x256xf32, #tpu.memory_space<vmem>>, vector<2048x256xf32>
    %get3A_4 = arith.constant 0 : index
    %get3A_5 = arith.constant 0 : index
    %get3A_6 = vector.load %arg2[%get3A_4, %get3A_5] : memref<1024x128xf32, #tpu.memory_space<vmem>>, vector<1024x128xf32>
    %get3A_7 = arith.constant 0 : index
    %get3A_8 = arith.constant 0 : index
    %get3A_9 = vector.load %arg3[%get3A_7, %get3A_8] : memref<1024x128xf32, #tpu.memory_space<vmem>>, vector<1024x128xf32>
    %mul3A = arith.mulf %get3A_6, %get3A_6 : vector<1024x128xf32>
    %reduce_sum3A = arith.constant dense<0.000000e+00> : vector<1024xf32>
    %reduce_sum3A_10 = vector.multi_reduction <add>, %mul3A, %reduce_sum3A [1] : vector<1024x128xf32> to vector<1024xf32>
    %broadcast_in_dim3A = vector.shape_cast %reduce_sum3A_10 : vector<1024xf32> to vector<1024x1xf32>
    %mul3A_11 = arith.mulf %get3A_9, %get3A_9 : vector<1024x128xf32>
    %reduce_sum3A_12 = arith.constant dense<0.000000e+00> : vector<1024xf32>
    %reduce_sum3A_13 = vector.multi_reduction <add>, %mul3A_11, %reduce_sum3A_12 [1] : vector<1024x128xf32> to vector<1024xf32>
    %broadcast_in_dim3A_14 = vector.shape_cast %reduce_sum3A_13 : vector<1024xf32> to vector<1024x1xf32>
    %add3A = arith.addf %broadcast_in_dim3A, %broadcast_in_dim3A_14 : vector<1024x1xf32>
    %get3A_15 = arith.constant 0 : index
    %get3A_16 = arith.constant 0 : index
    %get3A_17 = vector.load %arg4[%get3A_15, %get3A_16] : memref<1024x128xf32, #tpu.memory_space<vmem>>, vector<1024x1xf32>
    %get3A_18 = arith.constant 0 : index
    %get3A_19 = arith.constant 0 : index
    %get3A_20 = vector.load %arg5[%get3A_18, %get3A_19] : memref<1024x128xf32, #tpu.memory_space<vmem>>, vector<1024x1xf32>
    %add3A_21 = arith.addf %get3A_17, %get3A_20 : vector<1024x1xf32>
    %mul3A_22 = arith.mulf %get3A_3, %get3A_3 : vector<2048x256xf32>
    %reduce_sum3A_23 = vector.shape_cast %mul3A_22 : vector<2048x256xf32> to vector<1x2048x256xf32>
    %reduce_sum3A_24 = arith.constant dense<0.000000e+00> : vector<1xf32>
    %reduce_sum3A_25 = vector.multi_reduction <add>, %reduce_sum3A_23, %reduce_sum3A_24 [1, 2] : vector<1x2048x256xf32> to vector<1xf32>
    %reduce_sum3A_26 = vector.shape_cast %reduce_sum3A_25 : vector<1xf32> to vector<1x1x1xf32>
    %reduce_sum3A_27 = vector.extract %reduce_sum3A_26[0, 0, 0] : f32 from vector<1x1x1xf32>
    %max3A = arith.constant 1.000000e+00 : f32
    %max3A_28 = vector.broadcast %max3A : f32 to vector<1024x1xf32>
    %max3A_29 = arith.maximumf %add3A_21, %max3A_28 : vector<1024x1xf32>
    %div3A = arith.divf %add3A, %max3A_29 : vector<1024x1xf32>
    %reduce_sum3A_30 = vector.shape_cast %div3A : vector<1024x1xf32> to vector<1x1024x1xf32>
    %reduce_sum3A_31 = arith.constant dense<0.000000e+00> : vector<1xf32>
    %reduce_sum3A_32 = vector.multi_reduction <add>, %reduce_sum3A_30, %reduce_sum3A_31 [1, 2] : vector<1x1024x1xf32> to vector<1xf32>
    %reduce_sum3A_33 = vector.shape_cast %reduce_sum3A_32 : vector<1xf32> to vector<1x1x1xf32>
    %reduce_sum3A_34 = vector.extract %reduce_sum3A_33[0, 0, 0] : f32 from vector<1x1x1xf32>
    %sub3A = arith.subf %reduce_sum3A_27, %reduce_sum3A_34 : f32
    %get3A_35 = arith.constant 0 : index
    %get3A_36 = memref.load %arg7[%get3A_35] : memref<1xf32, #tpu.memory_space<smem>>
    %add3A_37 = arith.addf %get3A_36, %sub3A : f32
    %swap3A = arith.constant 0 : index
    %swap3A_38 = memref.load %arg7[%swap3A] : memref<1xf32, #tpu.memory_space<smem>>
    memref.store %add3A_37, %arg7[%swap3A] : memref<1xf32, #tpu.memory_space<smem>>
    %eq3A_39 = arith.constant 7 : i32
    %eq3A_40 = arith.cmpi eq, %arg0, %eq3A_39 : i32
    %convert_element_type3A_41 = arith.extui %eq3A_40 : i1 to i32
    %cond3A_42 = arith.constant 0 : i32
    %cond3A_43 = arith.cmpi ne, %convert_element_type3A_41, %cond3A_42 : i32
    scf.if %cond3A_43 {
      %get3A_44 = arith.constant 0 : index
      %get3A_45 = memref.load %arg7[%get3A_44] : memref<1xf32, #tpu.memory_space<smem>>
      %mul3A_46 = arith.constant 2.38418579E-7 : f32
      %mul3A_47 = arith.mulf %get3A_45, %mul3A_46 : f32
      %broadcast_in_dim3A_48 = vector.broadcast %mul3A_47 : f32 to vector<1x1xf32>
      %swap3A_49 = arith.constant 0 : index
      %swap3A_50 = arith.constant 0 : index
      %swap3A_51 = vector.load %arg6[%swap3A_49, %swap3A_50] : memref<1x1xf32, #tpu.memory_space<vmem>>, vector<1x1xf32>
      tpu.vector_store %arg6[%swap3A_49, %swap3A_50], %broadcast_in_dim3A_48 {strides = array<i32>} : memref<1x1xf32, #tpu.memory_space<vmem>>, vector<1x1xf32>,
    } else {
    }
    return
  }
  func.func @transform_0(%arg0: i32) -> (i32, i32) {
    %c0_i32 = arith.constant 0 : i32
    %c0_i32_0 = arith.constant 0 : i32
    return %arg0, %c0_i32 : i32, i32
  }
  func.func @transform_1(%arg0: i32) -> (i32, i32) {
    %c0_i32 = arith.constant 0 : i32
    %c0_i32_0 = arith.constant 0 : i32
    return %arg0, %c0_i32 : i32, i32
  }
  func.func @transform_2(%arg0: i32) -> (i32, i32) {
    %add3A = arith.constant 8 : i32
    %add3A_0 = arith.addi %arg0, %add3A : i32
    %c0_i32 = arith.constant 0 : i32
    %c0_i32_1 = arith.constant 0 : i32
    return %add3A_0, %c0_i32 : i32, i32
  }
  func.func @transform_3(%arg0: i32) -> (i32, i32) {
    %c0_i32 = arith.constant 0 : i32
    %c0_i32_0 = arith.constant 0 : i32
    return %arg0, %c0_i32 : i32, i32
  }
  func.func @transform_4(%arg0: i32) -> (i32, i32) {
    %add3A = arith.constant 8 : i32
    %add3A_0 = arith.addi %arg0, %add3A : i32
    %c0_i32 = arith.constant 0 : i32
    %c0_i32_1 = arith.constant 0 : i32
    return %add3A_0, %c0_i32 : i32, i32
  }
  func.func @transform_5(%arg0: i32) -> (i32, i32) {
    %c0_i32 = arith.constant 0 : i32
    %c0_i32_0 = arith.constant 0 : i32
    %c0_i32_1 = arith.constant 0 : i32
    return %c0_i32, %c0_i32_0 : i32, i32
  }
}

</mosaic_0001>

<sc_bundles>
// kernel: kernel.4.cloned.1.call-start
scs
__scs_entry_jumppad:
0x0: {  	(pc) =	sbr.rel $0x88, $3  }
0x1: {  	(tag) =	ssettag $0x0;
	lr =	simm.s32 $0x1  }
0x2: {  	[smem:$0x3F9F] =	sst lr;
	_ =	strace $0xD0000000  }
0x3: {  	_ = 	snop  }
0x4: {  	_ = 	snop  }
0x5: {  	_ = 	snop  }
0x6: {  	_ = 	snop  }
0x7: {  	_ = 	snop  }
__scs_overlays_trampoline_lowered:
0x8: {  	[smem:$0x3FAE] =	sst s0  }
0x9: {  	[smem:$0x3FAF] =	sst s1  }
0xa: {  	[smem:$0x3FB0] =	sst s2  }
0xb: {  	[smem:$0x3FB1] =	sst s3  }
0xc: {  	[smem:$0x3FB2] =	sst s4  }
0xd: {  	[smem:$0x3FB3] =	sst s5  }
0xe: {  	[smem:$0x3FB4] =	sst s6  }
0xf: {  	[smem:$0x3FB5] =	sst s7  }
0x10: {  	[smem:$0x3FB6] =	sst s8  }
0x11: {  	[smem:$0x3FB7] =	sst s9;
	s0 =	simm.s32 @!p0 $0x0  }
0x12: {  	s1 =	sld [smem:$0x3F9D];
	s0 =	simm.s32 @p0 $0x1  }
0x13: {  	[smem:$0x3FB8] =	sst s0;
	s0 =	simm.s32 @!p1 $0x0  }
0x14: {  	s2 =	sld [smem:$0x3F9C];
	s0 =	simm.s32 @p1 $0x1  }
0x15: {  	[smem:$0x3FB9] =	sst s0;
	s0 =	simm.s32 @!p2 $0x0  }
0x16: {  	s3 =	sld [smem:$0x3FDB];
	s0 =	simm.s32 @p2 $0x1  }
0x17: {  	s4 =	simm.s32 $0x1BF5;
	[smem:$0x3FBB] =	sst s0  }
0x18: {  	s0 =	sld [smem:$0x3F9E];
	_ =	swait.ge [sflag:s4], $0x0  }
0x19: {  	s7 =	sld [smem:$0x3F9F]  }
0x1a: {  	s8 =	sadd.s32 $0xFFFFE003, lr  }
0x1b: {  	s9 =	sadd.s32 $0xFFFFFEF7, lr;
	s5 =	simm.s32 $0xFFFFFFFF;
	p2 =	slt.u32 s8, $0xFFFFF086  }
0x1c: {  	p1 =	slt.u32 s9, $0xF7A;
	s5 =	simm.s32 @!p2 $0x0  }
0x1d: {  	s5 =	simm.s32 @p1 $0x1;
	p0 =	seq.s32 s7, s2  }
0x1e: {  	s7 =	smul.u32 @!p0 $0xF7A, s2;
	p2 =	seq.s32 @!p0 s5, $0x0  }
0x1f: {  	s9 =	smul.u32 $0xF7A, s1;
	s8 =	simm.s32 @!p0 $0x1BF5;
	p2 =	por !p2, p0  }
0x20: {  	[sflag:s8] =	ssyncset.s32 @!p0 $0xFFFFF086;
	s6 =	sadd.s32 @!p0 s3, s7;
	s7 =	simm.s32 @!p0 $0x108  }
0x21: {  	s3 =	sadd.s32 s3, s9;
	s6 =	sadd.s32 @!p0 $0x88, s6;
	s7 =	simm.s32 @p2 $0x1082  }
0x22: {  	[simem:s7], [sflag:s8] =	dma.local @!p0 [hbm:s6], $0xF7A  }
0x23: {  	s9 =	sor.u32 $0xD0000000, s2;
	s6 =	simm.s32 $0x108;
	_ =	swait.ge @!p0 [sflag:s8], $0x0  }
0x24: {  	s3 =	sadd.s32 $0x88, s3;
	s6 =	simm.s32 @!p1 $0x1082;
	[sflag:s4] =	ssyncset.s32 $0xFFFFF086  }
0x25: {  	[simem:s6], [sflag:s4] =	dma.local [hbm:s3], $0xF7A  }
0x26: {  	[smem:$0x3F9F] =	sst s1;
	(tag) =	ssettag s2;
	_ =	strace s9  }
0x27: {  	s1 =	sld [smem:$0x3FAF]  }
0x28: {  	s2 =	sld [smem:$0x3FB0]  }
0x29: {  	s4 =	sld [smem:$0x3FB2]  }
0x2a: {  	p0 =	seq.s32 s5, $0x0;
	s5 =	sld [smem:$0x3FB3]  }
0x2b: {  	s6 =	sld [smem:$0x3FB4]  }
0x2c: {  	s7 =	sld [smem:$0x3FB5]  }
0x2d: {  	s3 =	simm.s32 $0x108;
	s8 =	sld [smem:$0x3FB6]  }
0x2e: {  	s3 =	simm.s32 @!p0 $0x1082;
	s9 =	sld [smem:$0x3FB7]  }
0x2f: {  	lr =	sadd.s32 s0, s3;
	s0 =	sld [smem:$0x3FAE]  }
0x30: {  	s3 =	sld [smem:$0x3FB1]  }
0x31: {  	[smem:$0x3FBA] =	sst s10  }
0x32: {  	s10 =	sld [smem:$0x3FB8];
	_ =	sdelay $0x3  }
0x33: {  	p0 =	seq.s32 s10, $0x1;
	s10 =	sld [smem:$0x3FBA];
	_ =	sdelay $0x3  }
0x34: {  	[smem:$0x3FBA] =	sst s10  }
0x35: {  	s10 =	sld [smem:$0x3FB9];
	_ =	sdelay $0x3  }
0x36: {  	p1 =	seq.s32 s10, $0x1;
	s10 =	sld [smem:$0x3FBA];
	_ =	sdelay $0x3  }
0x37: {  	[smem:$0x3FBA] =	sst s10  }
0x38: {  	s10 =	sld [smem:$0x3FBB]  }
0x39: {  	_ = 	snop;
	(pc) =	sbr.ind lr, $3  }
0x3a: {  	_ = 	snop  }
0x3b: {  	_ = 	snop  }
0x3c: {  	p2 =	seq.s32 s10, $0x1;
	s10 =	sld [smem:$0x3FBA]  }
0x3d: {  	_ =	shalt  }
0x3e: {  	_ =	shalt  }
0x3f: {  	_ =	shalt  }
0x40: {  	_ =	shalt  }
0x41: {  	_ =	shalt  }
0x42: {  	_ =	shalt  }
0x43: {  	_ =	shalt  }
0x44: {  	_ =	shalt  }
0x45: {  	_ =	shalt  }
0x46: {  	_ =	shalt  }
0x47: {  	_ =	shalt  }
0x48: {  	_ =	shalt  }
0x49: {  	_ =	shalt  }
0x4a: {  	_ =	shalt  }
0x4b: {  	_ =	shalt  }
0x4c: {  	_ =	shalt  }
0x4d: {  	_ =	shalt  }
0x4e: {  	_ =	shalt  }
0x4f: {  	_ =	shalt  }
0x50: {  	_ =	shalt  }
0x51: {  	_ =	shalt  }
0x52: {  	_ =	shalt  }
0x53: {  	_ =	shalt  }
0x54: {  	_ =	shalt  }
0x55: {  	_ =	shalt  }
0x56: {  	_ =	shalt  }
0x57: {  	_ =	shalt  }
0x58: {  	_ =	shalt  }
0x59: {  	_ =	shalt  }
0x5a: {  	_ =	shalt  }
0x5b: {  	_ =	shalt  }
0x5c: {  	_ =	shalt  }
0x5d: {  	_ =	shalt  }
0x5e: {  	_ =	shalt  }
0x5f: {  	_ =	shalt  }
0x60: {  	_ =	shalt  }
0x61: {  	_ =	shalt  }
0x62: {  	_ =	shalt  }
0x63: {  	_ =	shalt  }
0x64: {  	_ =	shalt  }
0x65: {  	_ =	shalt  }
0x66: {  	_ =	shalt  }
0x67: {  	_ =	shalt  }
0x68: {  	_ =	shalt  }
0x69: {  	_ =	shalt  }
0x6a: {  	_ =	shalt  }
0x6b: {  	_ =	shalt  }
0x6c: {  	_ =	shalt  }
0x6d: {  	_ =	shalt  }
0x6e: {  	_ =	shalt  }
0x6f: {  	_ =	shalt  }
0x70: {  	_ =	shalt  }
0x71: {  	_ =	shalt  }
0x72: {  	_ =	shalt  }
0x73: {  	_ =	shalt  }
0x74: {  	_ =	shalt  }
0x75: {  	_ =	shalt  }
0x76: {  	_ =	shalt  }
0x77: {  	_ =	shalt  }
0x78: {  	_ =	shalt  }
0x79: {  	_ =	shalt  }
0x7a: {  	_ =	shalt  }
0x7b: {  	_ =	shalt  }
0x7c: {  	_ =	shalt  }
0x7d: {  	_ =	shalt  }
0x7e: {  	_ =	shalt  }
0x7f: {  	_ =	shalt  }
0x80: {  	_ =	shalt  }
0x81: {  	_ =	shalt  }
0x82: {  	_ =	shalt  }
0x83: {  	_ =	shalt  }
0x84: {  	_ =	shalt  }
0x85: {  	_ =	shalt  }
0x86: {  	_ =	shalt  }
0x87: {  	_ =	shalt  }
.Lfunc_end0:
.L_simem_size_0:
called_computation_lowered:
.L_overlay_start_0:
0x88: {  	s2 =	sld [smem:$0x3FD9]  }
0x89: {  	s3 =	sld [smem:$0x3FFE];
	_ =	sdelay $0x1  }
0x8a: {  	s1 =	srdreg.scid  }
0x8b: {  	s0 =	sand.u32 $0x1, s1  }
0x8c: {  	s17 =	sshll.u32 s0, $0xA;
	s2 =	sadd.s32 s3, s2  }
0x8d: {  	s2 =	sadd.s32 s2, s17  }
0x8e: {  	[smem:$0x3FC6] =	sst s2  }
0x8f: {  	_ = 	snop  }
0x90: {  	s2 =	sld [smem:$0x3FC9]  }
0x91: {  	s18 =	sld [smem:$0x3FC8];
	(tm) =	ssettm $0x1  }
0x92: {  	s4 =	sld [smem:$0x3FFB];
	_ =	sdelay $0x3  }
0x93: {  	_ =	strace s4  }
0x94: {  	s4 =	sld [smem:$0x3FFC];
	_ =	sdelay $0x3  }
0x95: {  	_ =	strace s4  }
0x96: {  	s4 =	sld [smem:$0x3FFD];
	_ =	sdelay $0x3  }
0x97: {  	_ =	strace s4  }
0x98: {  	_ =	strace $0x8FFFFFFF  }
0x99: {  	s19 =	sld [smem:$0x3FDB];
	_ =	sdelay $0x1  }
0x9a: {  	s5 =	simm.s32 $_scs_section_size  }
0x9b: {  	s6 =	simm.s32 $_size__tile_overlayer_lowered;
	s7 =	simm.s32 $_tile_overlayer_lowered  }
0x9c: {  	s22 =	simm.s32 $0x1BFF;
	s21 =	sshll.u32 s7, $0x1;
	s4 =	sadd.s32 s5, s19  }
0x9d: {  	s8 =	simm.s32 $0x0;
	s20 =	sshll.u32 s6, $0x1;
	s6 =	sadd.s32 s21, s4  }
0x9e: {  	[timem:s8], [sflag:s22] =	dma.local [hbm:s6], s20  }
0x9f: {  	_ =	swait.ge [sflag:s22], s20  }
0xa0: {  	s5 =	ssub.s32 $0x0, s20;
	[sflag:s22] =	ssyncset.done $0x0  }
0xa1: {  	[sflag:s22] =	ssyncadd.s32 s5;
	_ =	sdelay $0x1  }
0xa2: {  	s23 =	simm.s32 $0x1B8B  }
0xa3: {  	_ =	swait.ge [sflag:s23], $0x1  }
0xa4: {  	[sflag:s23] =	ssyncset.done $0x0  }
0xa5: {  	s25 =	simm.s32 $0x1B8E;
	s24 =	sld [smem:$0x3FFE];
	[sflag:s23] =	ssyncadd.s32 $0xFFFFFFFF  }
0xa6: {  	s26 =	simm.s32 $execute0_lowered;
	[smem:$0x3FD2] =	sst s25  }
0xa7: {  	s6 =	sshll.u32 s26, $0x1;
	_ =	strace $0x80000046;
	[dreg:$0x1] =	wrdreg $0xFFFFFFFF  }
0xa8: {  	s28 =	simm.s32 $_size_execute0_lowered;
	s4 =	sadd.s32 s4, s6;
	[dreg:$0x0] =	wrdreg $0x0  }
0xa9: {  	s6 =	sshll.u32 s28, $0x1;
	[dreg:$0x2] =	wrdreg s4  }
0xaa: {  	[dreg:$0x3] =	wrdreg s6  }
0xab: {  	[dreg:$0x4] =	wrdreg $0xC0  }
0xac: {  	_ =	task [dreg:s8], $0x5FFFF  }
0xad: {  	[dreg:$0x1] =	wrdreg $0xFFFFFFFF  }
0xae: {  	[dreg:$0x0] =	wrdreg $0x60  }
0xaf: {  	[dreg:$0x2] =	wrdreg s2  }
0xb0: {  	[dreg:$0x3] =	wrdreg s18  }
0xb1: {  	[dreg:$0x4] =	wrdreg s24  }
0xb2: {  	[dreg:$0x5] =	wrdreg $0x81000  }
0xb3: {  	[dreg:$0x6] =	wrdreg $0x9  }
0xb4: {  	_ =	task.clear_ibuf [dreg:s8], $0x7FFFF;
	_ =	strace $0x90000046  }
0xb5: {  	s29 =	simm.s32 $0x9;
	_ =	strace $0x80000048  }
0xb6: {  	_ =	swait.ge [sflag:s29], $0x1  }
0xb7: {  	[sflag:s29] =	ssyncadd.s32 $0xFFFFFFFF  }
0xb8: {  	_ =	strace $0x90000048  }
0xb9: {  	_ =	sfence  }
0xba: {  	s30 =	sld [smem:$0x0];
	_ =	sdelay $0x2  }
0xbb: {  	s31 =	sshll.u32 s1, $0xD;
	s1 =	sshrl.u32 s1, $0x2  }
0xbc: {  	s3 =	sand.u32 $0x4000, s31;
	s1 =	sadd.s32 s1, s30  }
0xbd: {  	s0 =	sor.u32 s3, s0;
	s1 =	sshll.u32 s1, $0x11  }
0xbe: {  	s0 =	sor.u32 s1, s0  }
0xbf: {  	s0 =	sadd.s32 $0x8F2B, s0  }
0xc0: {  	[sflag:s0] =	ssyncadd.remote.s32 $0x1  }
0xc1: {  	_ =	sfence.sel $0xFFFF  }
0xc2: {  	[dreg:$0x0] =	wrdreg $0xFFFFFFFF;
	(pc) =	sbr.abs _section_cstart, $3  }
0xc3: {  	[dreg:$0x1] =	wrdreg $0xFFFFFFFF  }
0xc4: {  	_ =	task.clear_ibuf [dreg:s8], $0x2FFFF;
	_ =	strace $0x9FFFFFFF  }
0xc5: {  	(tm) =	ssettm $0x7FFFFFFF  }
tec
execute0_lowered:
.L_overlay_start_1:
0x0: {  	(tag) =	ssettag $0x1  }
0x1: {  	s21 =	rddreg [dreg:$0x0]  }
0x2: {  	s26 =	rddreg [dreg:$0x1]  }
0x3: {  	s25 =	rddreg [dreg:$0x2]  }
0x4: {  	s1 =	rddreg [dreg:$0x3]  }
0x5: {  	s0 =	rddreg [dreg:$0x4];
	s3 =	simm.s32 $0x0  }
0x6: {  	s2 =	stileid.u32;
	[smem:$0x7FF] =	sst s3  }
0x7: {  	s5 =	simm.s32 $0x1;
	s4 =	sadd.s32 $0xC00, s25;
	_ =	strace $0x80000047  }
0x8: {  	[tilespmem:s3], [sflag:$0x1] =	stream.linear.gather [hbm4b:s4+s3], $0x8000, $0x38;
	[tilespmem:$0x18100] =	vst v63  }
0x9: {  	s9 =	sshll.u32 s2, $0x12;
	_ =	swait.ge [sflag:s5], $0x8000  }
0xa: {  	s6 =	sshrl.u32 s9, $0x2;
	[sflag:s5] =	ssyncset.done $0x0  }
0xb: {  	s6 =	sadd.s32 s6, s1;
	[sflag:s5] =	ssyncadd.s32 $0xFFFF8000  }
0xc: {  	[spmem:s6] =	stream.linear.scatter [tilespmem:s3], [sflag:$0x1], $0x8000, $0x38;
	[tilespmem:$0x18100] =	vst v63  }
0xd: {  	_ =	swait.ge [sflag:s5], $0x8000  }
0xe: {  	[sflag:s5] =	ssyncset.done $0x0  }
0xf: {  	s7 =	sadd.s32 $0x8000, s6;
	[sflag:s5] =	ssyncadd.s32 $0xFFFF8000  }
0x10: {  	[spmem:s7] =	stream.linear.scatter [tilespmem:s3], [sflag:$0x1], $0x8000, $0x38;
	[tilespmem:$0x18100] =	vst v63  }
0x11: {  	s8 =	srdreg.scid;
	_ =	swait.ge [sflag:s5], $0x8000  }
0x12: {  	s29 =	sand.u32 $0x1, s8;
	s24 =	sshll.u32 s2, $0x7;
	[sflag:s5] =	ssyncset.done $0x0  }
0x13: {  	s8 =	sadd.s32 s26, s24;
	s28 =	sshll.u32 s29, $0xA;
	[sflag:s5] =	ssyncadd.s32 $0xFFFF8000  }
0x14: {  	s10 =	sor.u32 s28, s9;
	s9 =	simm.s32 $0x8000;
	[bflag:$0x0] =	sbarrier.arrive $0xFFFF  }
0x15: {  	[tilespmem:s9], [sflag:$0x1] =	stream.linear.gather [hbm4b:s8+s3], $0x100, $0x38;
	[tilespmem:$0x18100] =	vst v63  }
0x16: {  	_ =	swait.ge [sflag:s5], $0x100  }
0x17: {  	s11 =	simm.s32 $0x400;
	s10 =	sshrl.u32 s10, $0x3;
	[sflag:s5] =	ssyncset.done $0x0  }
0x18: {  	s12 =	simm.s32 $0x800;
	s10 =	sadd.s32 s21, s10;
	[sflag:s5] =	ssyncadd.s32 $0xFFFFFF00  }
0x19: {  	[tilespmem:s3], [sflag:$0x1] =	stream.strided.gather [hbm4b:s10+s11], $0x8000, s12, s11, $0x38;
	[tilespmem:$0x18100] =	vst v63  }
0x1a: {  	_ =	swait.ge [sflag:s5], $0x8000  }
0x1b: {  	[sflag:s5] =	ssyncset.done $0x0  }
0x1c: {  	s13 =	simm.s32 $0x80;
	[sflag:s5] =	ssyncadd.s32 $0xFFFF8000  }
0x1d: {  	[spmem:s1] =	stream.indirect.scatter.add.f32 [tilespmem:s3], [sflag:$0x1], $0x80, s9, s13, $0xb8;
	[tilespmem:$0x18100] =	vst v63  }
0x1e: {  	_ =	swait.ge [sflag:s5], $0x4000  }
0x1f: {  	s14 =	simm.s32 $0x8080;
	[sflag:s5] =	ssyncset.done $0x0  }
0x20: {  	s15 =	simm.s32 $0x4000;
	s20 =	sshll.u32 s2, $0xA;
	[sflag:s5] =	ssyncadd.s32 $0xFFFFC000  }
0x21: {  	[spmem:s1] =	stream.indirect.scatter.add.f32 [tilespmem:s15], [sflag:$0x1], $0x80, s14, s13, $0xb8;
	[tilespmem:$0x18100] =	vst v63  }
0x22: {  	s17 =	sor.u32 $0x100, s20;
	_ =	swait.ge [sflag:s5], $0x4000  }
0x23: {  	s16 =	sshrl.u32 s17, $0x3;
	[sflag:s5] =	ssyncset.done $0x0  }
0x24: {  	s17 =	sshll.u32 s17, $0x8;
	s16 =	sadd.s32 s26, s16;
	[sflag:s5] =	ssyncadd.s32 $0xFFFFC000  }
0x25: {  	[tilespmem:s9], [sflag:$0x1] =	stream.linear.gather [hbm4b:s16+s3], $0x100, $0x38;
	[tilespmem:$0x18100] =	vst v63  }
0x26: {  	s17 =	sor.u32 s28, s17;
	_ =	swait.ge [sflag:s5], $0x100  }
0x27: {  	s17 =	sshrl.u32 s17, $0x3;
	[sflag:s5] =	ssyncset.done $0x0  }
0x28: {  	s17 =	sadd.s32 s21, s17;
	[sflag:s5] =	ssyncadd.s32 $0xFFFFFF00  }
0x29: {  	[tilespmem:s3], [sflag:$0x1] =	stream.strided.gather [hbm4b:s17+s11], $0x8000, s12, s11, $0x38;
	[tilespmem:$0x18100] =	vst v63  }
0x2a: {  	_ =	swait.ge [sflag:s5], $0x8000  }
0x2b: {  	[sflag:s5] =	ssyncset.done $0x0  }
0x2c: {  	[sflag:s5] =	ssyncadd.s32 $0xFFFF8000  }
0x2d: {  	[spmem:s1] =	stream.indirect.scatter.add.f32 [tilespmem:s3], [sflag:$0x1], $0x80, s9, s13, $0xb8;
	[tilespmem:$0x18100] =	vst v63  }
0x2e: {  	_ =	swait.ge [sflag:s5], $0x4000  }
0x2f: {  	[sflag:s5] =	ssyncset.done $0x0  }
0x30: {  	[sflag:s5] =	ssyncadd.s32 $0xFFFFC000  }
0x31: {  	[spmem:s1] =	stream.indirect.scatter.add.f32 [tilespmem:s15], [sflag:$0x1], $0x80, s14, s13, $0xb8;
	[tilespmem:$0x18100] =	vst v63  }
0x32: {  	s19 =	sor.u32 $0x200, s20;
	_ =	swait.ge [sflag:s5], $0x4000  }
0x33: {  	s18 =	sshrl.u32 s19, $0x3;
	[sflag:s5] =	ssyncset.done $0x0  }
0x34: {  	s19 =	sshll.u32 s19, $0x8;
	s18 =	sadd.s32 s26, s18;
	[sflag:s5] =	ssyncadd.s32 $0xFFFFC000  }
0x35: {  	[tilespmem:s9], [sflag:$0x1] =	stream.linear.gather [hbm4b:s18+s3], $0x100, $0x38;
	[tilespmem:$0x18100] =	vst v63  }
0x36: {  	s19 =	sor.u32 s28, s19;
	_ =	swait.ge [sflag:s5], $0x100  }
0x37: {  	s19 =	sshrl.u32 s19, $0x3;
	[sflag:s5] =	ssyncset.done $0x0  }
0x38: {  	s19 =	sadd.s32 s21, s19;
	[sflag:s5] =	ssyncadd.s32 $0xFFFFFF00  }
0x39: {  	[tilespmem:s3], [sflag:$0x1] =	stream.strided.gather [hbm4b:s19+s11], $0x8000, s12, s11, $0x38;
	[tilespmem:$0x18100] =	vst v63  }
0x3a: {  	_ =	swait.ge [sflag:s5], $0x8000  }
0x3b: {  	[sflag:s5] =	ssyncset.done $0x0  }
0x3c: {  	[sflag:s5] =	ssyncadd.s32 $0xFFFF8000  }
0x3d: {  	[spmem:s1] =	stream.indirect.scatter.add.f32 [tilespmem:s3], [sflag:$0x1], $0x80, s9, s13, $0xb8;
	[tilespmem:$0x18100] =	vst v63  }
0x3e: {  	_ =	swait.ge [sflag:s5], $0x4000  }
0x3f: {  	[sflag:s5] =	ssyncset.done $0x0  }
0x40: {  	[sflag:s5] =	ssyncadd.s32 $0xFFFFC000  }
0x41: {  	[spmem:s1] =	stream.indirect.scatter.add.f32 [tilespmem:s15], [sflag:$0x1], $0x80, s14, s13, $0xb8;
	[tilespmem:$0x18100] =	vst v63  }
0x42: {  	s22 =	sor.u32 $0x300, s20;
	_ =	swait.ge [sflag:s5], $0x4000  }
0x43: {  	s20 =	sshrl.u32 s22, $0x3;
	[sflag:s5] =	ssyncset.done $0x0  }
0x44: {  	s22 =	sshll.u32 s22, $0x8;
	s20 =	sadd.s32 s26, s20;
	[sflag:s5] =	ssyncadd.s32 $0xFFFFC000  }
0x45: {  	[tilespmem:s9], [sflag:$0x1] =	stream.linear.gather [hbm4b:s20+s3], $0x100, $0x38;
	[tilespmem:$0x18100] =	vst v63  }
0x46: {  	s22 =	sor.u32 s28, s22;
	_ =	swait.ge [sflag:s5], $0x100  }
0x47: {  	s22 =	sshrl.u32 s22, $0x3;
	[sflag:s5] =	ssyncset.done $0x0  }
0x48: {  	s21 =	sadd.s32 s21, s22;
	[sflag:s5] =	ssyncadd.s32 $0xFFFFFF00  }
0x49: {  	[tilespmem:s3], [sflag:$0x1] =	stream.strided.gather [hbm4b:s21+s11], $0x8000, s12, s11, $0x38;
	[tilespmem:$0x18100] =	vst v63  }
0x4a: {  	_ =	swait.ge [sflag:s5], $0x8000  }
0x4b: {  	[sflag:s5] =	ssyncset.done $0x0  }
0x4c: {  	[sflag:s5] =	ssyncadd.s32 $0xFFFF8000  }
0x4d: {  	[spmem:s1] =	stream.indirect.scatter.add.f32 [tilespmem:s3], [sflag:$0x1], $0x80, s9, s13, $0xb8;
	[tilespmem:$0x18100] =	vst v63  }
0x4e: {  	_ =	swait.ge [sflag:s5], $0x4000  }
0x4f: {  	[sflag:s5] =	ssyncset.done $0x0  }
0x50: {  	[sflag:s5] =	ssyncadd.s32 $0xFFFFC000  }
0x51: {  	[spmem:s1] =	stream.indirect.scatter.add.f32 [tilespmem:s15], [sflag:$0x1], $0x80, s14, s13, $0xb8;
	[tilespmem:$0x18100] =	vst v63  }
0x52: {  	s31 =	sshll.u32 s2, $0xD;
	s23 =	sshll.u32 s29, $0x11;
	_ =	swait.ge [sflag:s5], $0x4000  }
0x53: {  	s24 =	sshrl.u32 s6, $0x3;
	s22 =	sor.u32 s31, s23;
	[sflag:s5] =	ssyncset.done $0x0  }
0x54: {  	s31 =	sshll.u32 s2, $0x6;
	s30 =	sadd.s32 s22, s25;
	[sflag:s5] =	ssyncadd.s32 $0xFFFFC000  }
0x55: {  	s23 =	sor.u32 $0x1C01, s31;
	s22 =	sadd.s32 $0x2C00, s30;
	[bflag:$0x0] =	sbarrier.arrive $0xFFFF  }
0x56: {  	[hbm:s22], [sflag:s23] =	dma.local [spmem:s24], $0x2000  }
0x57: {  	_ =	swait.ge [sflag:s5], $0x2000  }
0x58: {  	[sflag:s5] =	ssyncset.done $0x0  }
0x59: {  	[sflag:s5] =	ssyncadd.s32 $0xFFFFE000  }
0x5a: {  	[bflag:$0x0] =	sbarrier.arrive $0xFFFF  }
0x5b: {  	[tilespmem:s3], [sflag:$0x1] =	stream.linear.gather [hbm4b:s4+s3], $0x8000, $0x38;
	[tilespmem:$0x18100] =	vst v63  }
0x5c: {  	_ =	swait.ge [sflag:s5], $0x8000  }
0x5d: {  	[sflag:s5] =	ssyncset.done $0x0  }
0x5e: {  	[sflag:s5] =	ssyncadd.s32 $0xFFFF8000  }
0x5f: {  	[spmem:s6] =	stream.linear.scatter [tilespmem:s3], [sflag:$0x1], $0x8000, $0x38;
	[tilespmem:$0x18100] =	vst v63  }
0x60: {  	_ =	swait.ge [sflag:s5], $0x8000  }
0x61: {  	[sflag:s5] =	ssyncset.done $0x0  }
0x62: {  	[sflag:s5] =	ssyncadd.s32 $0xFFFF8000  }
0x63: {  	[spmem:s7] =	stream.linear.scatter [tilespmem:s3], [sflag:$0x1], $0x8000, $0x38;
	[tilespmem:$0x18100] =	vst v63  }
0x64: {  	_ =	swait.ge [sflag:s5], $0x8000  }
0x65: {  	[sflag:s5] =	ssyncset.done $0x0  }
0x66: {  	[sflag:s5] =	ssyncadd.s32 $0xFFFF8000  }
0x67: {  	s25 =	sadd.s32 $0x1C00, s25;
	[bflag:$0x0] =	sbarrier.arrive $0xFFFF  }
0x68: {  	[tilespmem:s3], [sflag:$0x1] =	stream.linear.gather [hbm4b:s25+s3], $0x8000, $0x38;
	[tilespmem:$0x18100] =	vst v63  }
0x69: {  	_ =	swait.ge [sflag:s5], $0x8000  }
0x6a: {  	s28 =	sor.u32 s31, s28;
	[sflag:s5] =	ssyncset.done $0x0  }
0x6b: {  	s26 =	sadd.s32 s26, s28;
	[sflag:s5] =	ssyncadd.s32 $0xFFFF8000  }
0x6c: {  	[tilespmem:s9], [sflag:$0x1] =	stream.linear.gather [hbm4b:s26+s3], $0x100, $0x38;
	[tilespmem:$0x18100] =	vst v63  }
0x6d: {  	_ =	swait.ge [sflag:s5], $0x100  }
0x6e: {  	[sflag:s5] =	ssyncset.done $0x0  }
0x6f: {  	[sflag:s5] =	ssyncadd.s32 $0xFFFFFF00  }
0x70: {  	[spmem:s1] =	stream.indirect.scatter.add.f32 [tilespmem:s3], [sflag:$0x1], $0x80, s9, s13, $0xb8;
	[tilespmem:$0x18100] =	vst v63  }
0x71: {  	_ =	swait.ge [sflag:s5], $0x4000  }
0x72: {  	[sflag:s5] =	ssyncset.done $0x0  }
0x73: {  	[sflag:s5] =	ssyncadd.s32 $0xFFFFC000  }
0x74: {  	[spmem:s1] =	stream.indirect.scatter.add.f32 [tilespmem:s15], [sflag:$0x1], $0x80, s14, s13, $0xb8;
	[tilespmem:$0x18100] =	vst v63  }
0x75: {  	_ =	swait.ge [sflag:s5], $0x4000  }
0x76: {  	[sflag:s5] =	ssyncset.done $0x0  }
0x77: {  	s28 =	sadd.s32 $0x20, s26;
	[sflag:s5] =	ssyncadd.s32 $0xFFFFC000  }
0x78: {  	[tilespmem:s9], [sflag:$0x1] =	stream.linear.gather [hbm4b:s28+s3], $0x100, $0x38;
	[tilespmem:$0x18100] =	vst v63  }
0x79: {  	_ =	swait.ge [sflag:s5], $0x100  }
0x7a: {  	[sflag:s5] =	ssyncset.done $0x0  }
0x7b: {  	[sflag:s5] =	ssyncadd.s32 $0xFFFFFF00  }
0x7c: {  	[spmem:s1] =	stream.indirect.scatter.add.f32 [tilespmem:s3], [sflag:$0x1], $0x80, s9, s13, $0xb8;
	[tilespmem:$0x18100] =	vst v63  }
0x7d: {  	s29 =	ssub.s32 $0x2, s29;
	_ =	swait.ge [sflag:s5], $0x4000  }
0x7e: {  	s31 =	sshrl.u32 s29, $0x1;
	[sflag:s5] =	ssyncset.done $0x0  }
0x7f: {  	s31 =	ssub.s32 s29, s31;
	[sflag:s5] =	ssyncadd.s32 $0xFFFFC000  }
0x80: {  	[spmem:s1] =	stream.indirect.scatter.add.f32 [tilespmem:s15], [sflag:$0x1], $0x80, s14, s13, $0xb8;
	[tilespmem:$0x18100] =	vst v63  }
0x81: {  	s29 =	sadd.s32 $0x42C00, s30;
	s30 =	smax.u32 s31, $0x1;
	_ =	swait.ge [sflag:s5], $0x4000  }
0x82: {  	p0 =	sne.s32 s30, $0x1;
	[sflag:s5] =	ssyncset.done $0x0  }
.Ltmp0:
0x83: {  	[sflag:s5] =	ssyncadd.s32 $0xFFFFC000;
	(pc) =	sbr.rel @!p0 .LBB2_2-.Ltmp0, $4  }
0x84: {  	[bflag:$0x0] =	sbarrier.arrive $0xFFFF  }
0x85: {  	[hbm:s29], [sflag:s23] =	dma.local [spmem:s24], $0x2000  }
0x86: {  	_ =	swait.ge [sflag:s5], $0x2000  }
0x87: {  	s30 =	sadd.s32 $0xFFFFFFFF, s30;
	[sflag:s5] =	ssyncset.done $0x0  }
.LBB2_1:
0x88: {  	p0 =	sne.s32 s30, $0x1;
	s30 =	sadd.s32 $0xFFFFFFFF, s30;
	[sflag:s5] =	ssyncadd.s32 $0xFFFFE000  }
0x89: {  	[tilespmem:s3], [sflag:$0x1] =	stream.linear.gather [hbm4b:s4+s3], $0x8000, $0x38;
	[tilespmem:$0x18100] =	vst v63  }
0x8a: {  	_ =	swait.ge [sflag:s5], $0x8000  }
0x8b: {  	[sflag:s5] =	ssyncset.done $0x0  }
0x8c: {  	[sflag:s5] =	ssyncadd.s32 $0xFFFF8000  }
0x8d: {  	[spmem:s6] =	stream.linear.scatter [tilespmem:s3], [sflag:$0x1], $0x8000, $0x38;
	[tilespmem:$0x18100] =	vst v63  }
0x8e: {  	_ =	swait.ge [sflag:s5], $0x8000  }
0x8f: {  	[sflag:s5] =	ssyncset.done $0x0  }
0x90: {  	[sflag:s5] =	ssyncadd.s32 $0xFFFF8000  }
0x91: {  	[spmem:s7] =	stream.linear.scatter [tilespmem:s3], [sflag:$0x1], $0x8000, $0x38;
	[tilespmem:$0x18100] =	vst v63  }
0x92: {  	_ =	swait.ge [sflag:s5], $0x8000  }
0x93: {  	[sflag:s5] =	ssyncset.done $0x0  }
0x94: {  	[sflag:s5] =	ssyncadd.s32 $0xFFFF8000  }
0x95: {  	[bflag:$0x0] =	sbarrier.arrive $0xFFFF  }
0x96: {  	[tilespmem:s9], [sflag:$0x1] =	stream.linear.gather [hbm4b:s8+s3], $0x100, $0x38;
	[tilespmem:$0x18100] =	vst v63  }
0x97: {  	_ =	swait.ge [sflag:s5], $0x100  }
0x98: {  	[sflag:s5] =	ssyncset.done $0x0  }
0x99: {  	[sflag:s5] =	ssyncadd.s32 $0xFFFFFF00  }
0x9a: {  	[tilespmem:s3], [sflag:$0x1] =	stream.strided.gather [hbm4b:s10+s11], $0x8000, s12, s11, $0x38;
	[tilespmem:$0x18100] =	vst v63  }
0x9b: {  	_ =	swait.ge [sflag:s5], $0x8000  }
0x9c: {  	[sflag:s5] =	ssyncset.done $0x0  }
0x9d: {  	[sflag:s5] =	ssyncadd.s32 $0xFFFF8000  }
0x9e: {  	[spmem:s1] =	stream.indirect.scatter.add.f32 [tilespmem:s3], [sflag:$0x1], $0x80, s9, s13, $0xb8;
	[tilespmem:$0x18100] =	vst v63  }
0x9f: {  	_ =	swait.ge [sflag:s5], $0x4000  }
0xa0: {  	[sflag:s5] =	ssyncset.done $0x0  }
0xa1: {  	[sflag:s5] =	ssyncadd.s32 $0xFFFFC000  }
0xa2: {  	[spmem:s1] =	stream.indirect.scatter.add.f32 [tilespmem:s15], [sflag:$0x1], $0x80, s14, s13, $0xb8;
	[tilespmem:$0x18100] =	vst v63  }
0xa3: {  	_ =	swait.ge [sflag:s5], $0x4000  }
0xa4: {  	[sflag:s5] =	ssyncset.done $0x0  }
0xa5: {  	[sflag:s5] =	ssyncadd.s32 $0xFFFFC000  }
0xa6: {  	[tilespmem:s9], [sflag:$0x1] =	stream.linear.gather [hbm4b:s16+s3], $0x100, $0x38;
	[tilespmem:$0x18100] =	vst v63  }
0xa7: {  	_ =	swait.ge [sflag:s5], $0x100  }
0xa8: {  	[sflag:s5] =	ssyncset.done $0x0  }
0xa9: {  	[sflag:s5] =	ssyncadd.s32 $0xFFFFFF00  }
0xaa: {  	[tilespmem:s3], [sflag:$0x1] =	stream.strided.gather [hbm4b:s17+s11], $0x8000, s12, s11, $0x38;
	[tilespmem:$0x18100] =	vst v63  }
0xab: {  	_ =	swait.ge [sflag:s5], $0x8000  }
0xac: {  	[sflag:s5] =	ssyncset.done $0x0  }
0xad: {  	[sflag:s5] =	ssyncadd.s32 $0xFFFF8000  }
0xae: {  	[spmem:s1] =	stream.indirect.scatter.add.f32 [tilespmem:s3], [sflag:$0x1], $0x80, s9, s13, $0xb8;
	[tilespmem:$0x18100] =	vst v63  }
0xaf: {  	_ =	swait.ge [sflag:s5], $0x4000  }
0xb0: {  	[sflag:s5] =	ssyncset.done $0x0  }
0xb1: {  	[sflag:s5] =	ssyncadd.s32 $0xFFFFC000  }
0xb2: {  	[spmem:s1] =	stream.indirect.scatter.add.f32 [tilespmem:s15], [sflag:$0x1], $0x80, s14, s13, $0xb8;
	[tilespmem:$0x18100] =	vst v63  }
0xb3: {  	_ =	swait.ge [sflag:s5], $0x4000  }
0xb4: {  	[sflag:s5] =	ssyncset.done $0x0  }
0xb5: {  	[sflag:s5] =	ssyncadd.s32 $0xFFFFC000  }
0xb6: {  	[tilespmem:s9], [sflag:$0x1] =	stream.linear.gather [hbm4b:s18+s3], $0x100, $0x38;
	[tilespmem:$0x18100] =	vst v63  }
0xb7: {  	_ =	swait.ge [sflag:s5], $0x100  }
0xb8: {  	[sflag:s5] =	ssyncset.done $0x0  }
0xb9: {  	[sflag:s5] =	ssyncadd.s32 $0xFFFFFF00  }
0xba: {  	[tilespmem:s3], [sflag:$0x1] =	stream.strided.gather [hbm4b:s19+s11], $0x8000, s12, s11, $0x38;
	[tilespmem:$0x18100] =	vst v63  }
0xbb: {  	_ =	swait.ge [sflag:s5], $0x8000  }
0xbc: {  	[sflag:s5] =	ssyncset.done $0x0  }
0xbd: {  	[sflag:s5] =	ssyncadd.s32 $0xFFFF8000  }
0xbe: {  	[spmem:s1] =	stream.indirect.scatter.add.f32 [tilespmem:s3], [sflag:$0x1], $0x80, s9, s13, $0xb8;
	[tilespmem:$0x18100] =	vst v63  }
0xbf: {  	_ =	swait.ge [sflag:s5], $0x4000  }
0xc0: {  	[sflag:s5] =	ssyncset.done $0x0  }
0xc1: {  	[sflag:s5] =	ssyncadd.s32 $0xFFFFC000  }
0xc2: {  	[spmem:s1] =	stream.indirect.scatter.add.f32 [tilespmem:s15], [sflag:$0x1], $0x80, s14, s13, $0xb8;
	[tilespmem:$0x18100] =	vst v63  }
0xc3: {  	_ =	swait.ge [sflag:s5], $0x4000  }
0xc4: {  	[sflag:s5] =	ssyncset.done $0x0  }
0xc5: {  	[sflag:s5] =	ssyncadd.s32 $0xFFFFC000  }
0xc6: {  	[tilespmem:s9], [sflag:$0x1] =	stream.linear.gather [hbm4b:s20+s3], $0x100, $0x38;
	[tilespmem:$0x18100] =	vst v63  }
0xc7: {  	_ =	swait.ge [sflag:s5], $0x100  }
0xc8: {  	[sflag:s5] =	ssyncset.done $0x0  }
0xc9: {  	[sflag:s5] =	ssyncadd.s32 $0xFFFFFF00  }
0xca: {  	[tilespmem:s3], [sflag:$0x1] =	stream.strided.gather [hbm4b:s21+s11], $0x8000, s12, s11, $0x38;
	[tilespmem:$0x18100] =	vst v63  }
0xcb: {  	_ =	swait.ge [sflag:s5], $0x8000  }
0xcc: {  	[sflag:s5] =	ssyncset.done $0x0  }
0xcd: {  	[sflag:s5] =	ssyncadd.s32 $0xFFFF8000  }
0xce: {  	[spmem:s1] =	stream.indirect.scatter.add.f32 [tilespmem:s3], [sflag:$0x1], $0x80, s9, s13, $0xb8;
	[tilespmem:$0x18100] =	vst v63  }
0xcf: {  	_ =	swait.ge [sflag:s5], $0x4000  }
0xd0: {  	[sflag:s5] =	ssyncset.done $0x0  }
0xd1: {  	[sflag:s5] =	ssyncadd.s32 $0xFFFFC000  }
0xd2: {  	[spmem:s1] =	stream.indirect.scatter.add.f32 [tilespmem:s15], [sflag:$0x1], $0x80, s14, s13, $0xb8;
	[tilespmem:$0x18100] =	vst v63  }
0xd3: {  	_ =	swait.ge [sflag:s5], $0x4000  }
0xd4: {  	[sflag:s5] =	ssyncset.done $0x0  }
0xd5: {  	[sflag:s5] =	ssyncadd.s32 $0xFFFFC000  }
0xd6: {  	[bflag:$0x0] =	sbarrier.arrive $0xFFFF  }
0xd7: {  	[hbm:s22], [sflag:s23] =	dma.local [spmem:s24], $0x2000  }
0xd8: {  	_ =	swait.ge [sflag:s5], $0x2000  }
0xd9: {  	[sflag:s5] =	ssyncset.done $0x0  }
0xda: {  	[sflag:s5] =	ssyncadd.s32 $0xFFFFE000  }
0xdb: {  	[bflag:$0x0] =	sbarrier.arrive $0xFFFF  }
0xdc: {  	[tilespmem:s3], [sflag:$0x1] =	stream.linear.gather [hbm4b:s4+s3], $0x8000, $0x38;
	[tilespmem:$0x18100] =	vst v63  }
0xdd: {  	_ =	swait.ge [sflag:s5], $0x8000  }
0xde: {  	[sflag:s5] =	ssyncset.done $0x0  }
0xdf: {  	[sflag:s5] =	ssyncadd.s32 $0xFFFF8000  }
0xe0: {  	[spmem:s6] =	stream.linear.scatter [tilespmem:s3], [sflag:$0x1], $0x8000, $0x38;
	[tilespmem:$0x18100] =	vst v63  }
0xe1: {  	_ =	swait.ge [sflag:s5], $0x8000  }
0xe2: {  	[sflag:s5] =	ssyncset.done $0x0  }
0xe3: {  	[sflag:s5] =	ssyncadd.s32 $0xFFFF8000  }
0xe4: {  	[spmem:s7] =	stream.linear.scatter [tilespmem:s3], [sflag:$0x1], $0x8000, $0x38;
	[tilespmem:$0x18100] =	vst v63  }
0xe5: {  	_ =	swait.ge [sflag:s5], $0x8000  }
0xe6: {  	[sflag:s5] =	ssyncset.done $0x0  }
0xe7: {  	[sflag:s5] =	ssyncadd.s32 $0xFFFF8000  }
0xe8: {  	[bflag:$0x0] =	sbarrier.arrive $0xFFFF  }
0xe9: {  	[tilespmem:s3], [sflag:$0x1] =	stream.linear.gather [hbm4b:s25+s3], $0x8000, $0x38;
	[tilespmem:$0x18100] =	vst v63  }
0xea: {  	_ =	swait.ge [sflag:s5], $0x8000  }
0xeb: {  	[sflag:s5] =	ssyncset.done $0x0  }
0xec: {  	[sflag:s5] =	ssyncadd.s32 $0xFFFF8000  }
0xed: {  	[tilespmem:s9], [sflag:$0x1] =	stream.linear.gather [hbm4b:s26+s3], $0x100, $0x38;
	[tilespmem:$0x18100] =	vst v63  }
0xee: {  	_ =	swait.ge [sflag:s5], $0x100  }
0xef: {  	[sflag:s5] =	ssyncset.done $0x0  }
0xf0: {  	[sflag:s5] =	ssyncadd.s32 $0xFFFFFF00  }
0xf1: {  	[spmem:s1] =	stream.indirect.scatter.add.f32 [tilespmem:s3], [sflag:$0x1], $0x80, s9, s13, $0xb8;
	[tilespmem:$0x18100] =	vst v63  }
0xf2: {  	_ =	swait.ge [sflag:s5], $0x4000  }
0xf3: {  	[sflag:s5] =	ssyncset.done $0x0  }
0xf4: {  	[sflag:s5] =	ssyncadd.s32 $0xFFFFC000  }
0xf5: {  	[spmem:s1] =	stream.indirect.scatter.add.f32 [tilespmem:s15], [sflag:$0x1], $0x80, s14, s13, $0xb8;
	[tilespmem:$0x18100] =	vst v63  }
0xf6: {  	_ =	swait.ge [sflag:s5], $0x4000  }
0xf7: {  	[sflag:s5] =	ssyncset.done $0x0  }
0xf8: {  	[sflag:s5] =	ssyncadd.s32 $0xFFFFC000  }
0xf9: {  	[tilespmem:s9], [sflag:$0x1] =	stream.linear.gather [hbm4b:s28+s3], $0x100, $0x38;
	[tilespmem:$0x18100] =	vst v63  }
0xfa: {  	_ =	swait.ge [sflag:s5], $0x100  }
0xfb: {  	[sflag:s5] =	ssyncset.done $0x0  }
0xfc: {  	[sflag:s5] =	ssyncadd.s32 $0xFFFFFF00  }
0xfd: {  	[spmem:s1] =	stream.indirect.scatter.add.f32 [tilespmem:s3], [sflag:$0x1], $0x80, s9, s13, $0xb8;
	[tilespmem:$0x18100] =	vst v63  }
0xfe: {  	_ =	swait.ge [sflag:s5], $0x4000  }
0xff: {  	[sflag:s5] =	ssyncset.done $0x0  }
0x100: {  	[sflag:s5] =	ssyncadd.s32 $0xFFFFC000  }
0x101: {  	[spmem:s1] =	stream.indirect.scatter.add.f32 [tilespmem:s15], [sflag:$0x1], $0x80, s14, s13, $0xb8;
	[tilespmem:$0x18100] =	vst v63  }
0x102: {  	_ =	swait.ge [sflag:s5], $0x4000  }
0x103: {  	[sflag:s5] =	ssyncset.done $0x0  }
.Ltmp1:
0x104: {  	[sflag:s5] =	ssyncadd.s32 $0xFFFFC000;
	(pc) =	sbr.rel @p0 .LBB2_1-.Ltmp1, $4  }
0x105: {  	[bflag:$0x0] =	sbarrier.arrive $0xFFFF  }
0x106: {  	[hbm:s29], [sflag:s23] =	dma.local [spmem:s24], $0x2000  }
0x107: {  	_ =	swait.ge [sflag:s5], $0x2000  }
0x108: {  	[sflag:s5] =	ssyncset.done $0x0  }
.LBB2_2:
0x109: {  	[sflag:s5] =	ssyncadd.s32 $0xFFFFE000  }
0x10a: {  	_ =	sfence.sel $0x180000  }
0x10b: {  	[bflag:$0x0] =	sbarrier.arrive $0xFFFF  }
0x10c: {  	p0 =	sne.s32 s2, $0x0;
	_ =	strace $0x90000047  }
0x10d: {  	s0 =	sadd.s32 @!p0 $0x100000, s0;
	[bflag:$0x2] =	sbarrier.arrive $0xFFFF  }
0x10e: {  	[sflag:s0] =	ssyncadd.tile.s32 @!p0 $0x1;
	_ =	shalt  }
.Lfunc_end2:
_tile_overlayer_lowered:
.L_overlay_start_2:
0x10f: {  	(tag) =	ssettag $0x2  }
0x110: {  	s0 =	rddreg [dreg:$0x0];
	s2 =	stileid.u32  }
0x111: {  	s1 =	rddreg [dreg:$0x1];
	p0 =	sne.s32 s2, $0x0  }
0x112: {  	s3 =	rddreg [dreg:$0x2];
	[bflag:$0x3] =	sbarrier.arrive $0xFFFF;
	s2 =	simm.s32 @!p0 $0x1C01  }
0x113: {  	[timem:s3], [sflag:s2] =	dma.local @!p0 [hbm:s0], s1  }
0x114: {  	s0 =	simm.s32 @!p0 $0x1  }
0x115: {  	_ =	swait.ge @!p0 [sflag:s0], s1  }
0x116: {  	s1 =	ssub.s32 @!p0 $0x0, s1;
	[sflag:s0] =	ssyncset.done @!p0 $0x0  }
0x117: {  	[sflag:s0] =	ssyncadd.s32 @!p0 s1  }
0x118: {  	[bflag:$0x3] =	sbarrier.arrive $0xFFFF  }
0x119: {  	_ =	shalt  }

</sc_bundles>
